<compile_context>
chip_gen: v7x
topology: tpu7x:2x2x1
jax: 0.10.2.dev20260603
libtpu: 0.0.44.dev20260713+nightly
codegen_flags: <defaults>
</compile_context>

<pallas_src>
import dataclasses
import functools

import jax
import jax.numpy as jnp
from jax import lax
from jax.experimental import pallas as pl
from jax.experimental.pallas import tpu as pltpu
from jax.experimental.pallas import tpu_sc as plsc

N = 10000
E = 320000
D = 128
N_PAD = 10240
K_NODES = 320
NUM_TILES = 32
BLK_E = 640
N_BLKS = E // BLK_E
G_ROWS = 32
AVG_D_LOG = 3.4965
BN_EPS = 1e-5
NEG_BIG = -3.0e38
POS_BIG = 3.0e38


def _sc_aggregate(src_i32, dst_i32, h):
    mesh = plsc.VectorSubcoreMesh(core_axis_name="c", subcore_axis_name="s")
    cp = pltpu.CompilerParams()
    if "needs_layout_passes" in pltpu.CompilerParams.__dataclass_fields__:
        cp = dataclasses.replace(cp, needs_layout_passes=False)
    out_types = (
        jax.ShapeDtypeStruct((N_PAD, D), jnp.float32),
        jax.ShapeDtypeStruct((N_PAD, D), jnp.float32),
        jax.ShapeDtypeStruct((N_PAD, D), jnp.float32),
        jax.ShapeDtypeStruct((NUM_TILES, K_NODES), jnp.float32),
    )

    @functools.partial(
        pl.kernel,
        out_type=out_types,
        mesh=mesh,
        compiler_params=cp,
        scratch_types=[
            pltpu.VMEM((K_NODES, D), jnp.float32),
            pltpu.VMEM((K_NODES, D), jnp.float32),
            pltpu.VMEM((K_NODES, D), jnp.float32),
            pltpu.VMEM((K_NODES,), jnp.float32),
            pltpu.VMEM((BLK_E,), jnp.int32),
            pltpu.VMEM((BLK_E,), jnp.int32),
            pltpu.VMEM((BLK_E + 16,), jnp.int32),
            pltpu.VMEM((BLK_E + 16,), jnp.int32),
            pltpu.VMEM((G_ROWS, D), jnp.float32),
        ],
    )
    def agg_kernel(src_hbm, dst_hbm, h_hbm,
                   out_sum, out_max, out_min, out_deg,
                   acc_sum, acc_max, acc_min, deg_v,
                   src_st, dst_st, comp_src, comp_dst, gbuf):
        wid = lax.axis_index("c") * 16 + lax.axis_index("s")
        base = wid * K_NODES
        iota16 = lax.iota(jnp.int32, 16)
        ones16 = jnp.full((16,), 1.0, jnp.float32)

        @pl.loop(0, K_NODES)
        def _(r):
            for c in range(D // 16):
                sl = pl.ds(c * 16, 16)
                acc_sum[r, sl] = jnp.zeros((16,), jnp.float32)
                acc_max[r, sl] = jnp.full((16,), NEG_BIG, jnp.float32)
                acc_min[r, sl] = jnp.full((16,), POS_BIG, jnp.float32)

        @pl.loop(0, K_NODES // 16)
        def _(i):
            deg_v[pl.ds(i * 16, 16)] = jnp.zeros((16,), jnp.float32)

        @pl.loop(0, BLK_E // 16)
        def _(i):
            comp_src[pl.ds(i * 16, 16)] = jnp.zeros((16,), jnp.int32)
            comp_dst[pl.ds(i * 16, 16)] = jnp.zeros((16,), jnp.int32)

        def process_block(blk):
            pltpu.sync_copy(src_hbm.at[pl.ds(blk * BLK_E, BLK_E)], src_st)
            pltpu.sync_copy(dst_hbm.at[pl.ds(blk * BLK_E, BLK_E)], dst_st)

            def scan_body(ch, cnt):
                dv = dst_st[pl.ds(ch * 16, 16)]
                sv = src_st[pl.ds(ch * 16, 16)]
                m = (dv >= base) & (dv < base + K_NODES)
                dloc = jnp.clip(dv - base, 0, K_NODES - 1)
                plsc.addupdate_scatter(deg_v, [dloc], ones16, mask=m)
                plsc.store_compressed(comp_src.at[pl.ds(cnt, 16)], sv, mask=m)
                plsc.store_compressed(comp_dst.at[pl.ds(cnt, 16)], dloc, mask=m)
                return cnt + jnp.sum(m.astype(jnp.int32))

            cnt = lax.fori_loop(0, BLK_E // 16, scan_body, 0)

            def group_body(g, _):
                pltpu.sync_copy(h_hbm.at[comp_src.at[pl.ds(g * G_ROWS, G_ROWS)]],
                                gbuf)
                r = jnp.minimum(cnt - g * G_ROWS, G_ROWS)

                def edge_body(j, _):
                    i = g * G_ROWS + j
                    off = (i >> 4) << 4
                    lane = i & 15
                    dvec = comp_dst[pl.ds(off, 16)]
                    d = jnp.sum(jnp.where(iota16 == lane, dvec, 0))
                    for c in range(D // 16):
                        sl = pl.ds(c * 16, 16)
                        x = gbuf[j, sl]
                        acc_sum[d, sl] = acc_sum[d, sl] + x
                        acc_max[d, sl] = jnp.maximum(acc_max[d, sl], x)
                        acc_min[d, sl] = jnp.minimum(acc_min[d, sl], x)
                    return 0

                lax.fori_loop(0, r, edge_body, 0)
                return 0

            n_groups = (cnt + G_ROWS - 1) // G_ROWS
            lax.fori_loop(0, n_groups, group_body, 0)

        @pl.loop(0, N_BLKS)
        def _(blk):
            process_block(blk)

        pltpu.sync_copy(acc_sum, out_sum.at[pl.ds(base, K_NODES)])
        pltpu.sync_copy(acc_max, out_max.at[pl.ds(base, K_NODES)])
        pltpu.sync_copy(acc_min, out_min.at[pl.ds(base, K_NODES)])
        pltpu.sync_copy(deg_v, out_deg.at[wid])

    return agg_kernel(src_i32, dst_i32, h)


TC_BLK = 1000
TC_NBLK = N // TC_BLK


def _tc_tail(asum, amax, amin, deg, h, snorm, Wr, b2, gamma2, beta2):

    def pre_kernel(asum_r, amax_r, amin_r, deg_r, snorm_r, w_r, b_r,
                   out1_r, stats_r, acc_r):
        step = pl.program_id(0)
        deg = deg_r[...]
        pos = deg > 0.0
        degs = jnp.maximum(deg, 1.0)
        mean = asum_r[...] / degs
        mx = jnp.where(pos, amax_r[...], 0.0)
        mn = jnp.where(pos, amin_r[...], 0.0)
        ld = jnp.log(deg + 1.0)
        a_amp = ld * (1.0 / AVG_D_LOG)
        a_att = AVG_D_LOG / jnp.maximum(ld, 1e-6)

        def mm(x, k):
            return lax.dot_general(x, w_r[k],
                                   (((1,), (0,)), ((), ())),
                                   preferred_element_type=jnp.float32)

        s1 = mm(mean, 0) + mm(mx, 1) + mm(mn, 2)
        s2 = mm(mean, 3) + mm(mx, 4) + mm(mn, 5)
        s3 = mm(mean, 6) + mm(mx, 7) + mm(mn, 8)
        out1 = (s1 + a_amp * s2 + a_att * s3 + b_r[...]) * snorm_r[...]
        out1_r[...] = out1
        part = jnp.concatenate(
            [jnp.sum(out1, axis=0, keepdims=True),
             jnp.sum(out1 * out1, axis=0, keepdims=True)], axis=0)

        @pl.when(step == 0)
        def _():
            acc_r[...] = jnp.zeros_like(acc_r)

        acc_r[...] += part
        stats_r[...] = acc_r[...]

    out1, stats = pl.pallas_call(
        pre_kernel,
        grid=(TC_NBLK,),
        in_specs=[
            pl.BlockSpec((TC_BLK, D), lambda i: (i, 0)),
            pl.BlockSpec((TC_BLK, D), lambda i: (i, 0)),
            pl.BlockSpec((TC_BLK, D), lambda i: (i, 0)),
            pl.BlockSpec((TC_BLK, 1), lambda i: (i, 0)),
            pl.BlockSpec((TC_BLK, 1), lambda i: (i, 0)),
            pl.BlockSpec((9, D, D), lambda i: (0, 0, 0)),
            pl.BlockSpec((1, D), lambda i: (0, 0)),
        ],
        out_specs=[
            pl.BlockSpec((TC_BLK, D), lambda i: (i, 0)),
            pl.BlockSpec((2, D), lambda i: (0, 0)),
        ],
        out_shape=[
            jax.ShapeDtypeStruct((N, D), jnp.float32),
            jax.ShapeDtypeStruct((2, D), jnp.float32),
        ],
        scratch_shapes=[pltpu.VMEM((2, D), jnp.float32)],
    )(asum, amax, amin, deg, snorm, Wr, b2)

    def post_kernel(out1_r, h_r, stats_r, gamma_r, beta_r, out_r):
        mu = stats_r[0:1, :] * (1.0 / N)
        var = stats_r[1:2, :] * (1.0 / N) - mu * mu
        y = ((out1_r[...] - mu) * lax.rsqrt(var + BN_EPS) * gamma_r[...]
             + beta_r[...])
        out_r[...] = jnp.maximum(y, 0.0) + h_r[...]

    return pl.pallas_call(
        post_kernel,
        grid=(TC_NBLK,),
        in_specs=[
            pl.BlockSpec((TC_BLK, D), lambda i: (i, 0)),
            pl.BlockSpec((TC_BLK, D), lambda i: (i, 0)),
            pl.BlockSpec((2, D), lambda i: (0, 0)),
            pl.BlockSpec((1, D), lambda i: (0, 0)),
            pl.BlockSpec((1, D), lambda i: (0, 0)),
        ],
        out_specs=pl.BlockSpec((TC_BLK, D), lambda i: (i, 0)),
        out_shape=jax.ShapeDtypeStruct((N, D), jnp.float32),
    )(out1, h, stats, gamma2, beta2)


def kernel(h, edge_index, e, snorm_n, W, b, gamma, beta):
    del e
    src = edge_index[0].astype(jnp.int32)
    dst = edge_index[1].astype(jnp.int32)
    asum, amax, amin, deg = _sc_aggregate(src, dst, h)
    asum = asum[:N]
    amax = amax[:N]
    amin = amin[:N]
    deg = deg.reshape(N_PAD, 1)[:N]
    Wr = W.reshape(9, D, D)
    out = _tc_tail(asum, amax, amin, deg, h, snorm_n,
                   Wr, b.reshape(1, D), gamma.reshape(1, D), beta.reshape(1, D))
    return out

# --- scband reference (transcript-rebuilt; emitter-appended) ---
"""Pipeline reference for scband-dgnlayer-simple-27582279975065 (READ-ONLY COPY).

The authoritative reference and input builder live on the scoring server;
editing this copy changes nothing except your own understanding.
"""

import jax, jax.numpy as jnp
import numpy as np

N = 10000
E = 320000
D_IN = 128
D_OUT = 128
N_AGG = 3
N_SCALE = 3
AVG_D_LOG = 3.4965  # log(avg_degree + 1) = log(32 + 1)
BN_EPS = 1e-5


def setup_inputs(seed: int = 0) -> dict:
    key = jax.random.key(seed)
    k1, k2, k3, k4, k5, k6 = jax.random.split(key, 6)
    h = jax.random.normal(k1, (N, D_IN), dtype=jnp.float32)
    edge_index = jax.random.randint(k2, (2, E), 0, N, dtype=jnp.int64)
    e = jax.random.normal(k3, (E, 4), dtype=jnp.float32)
    snorm_n = jax.random.uniform(k4, (N, 1), dtype=jnp.float32)
    # posttrans MLP (1 layer): Linear(len(agg)*len(scale)*in_dim -> out_dim), last_activation='none'
    W = jax.random.normal(k5, (N_AGG * N_SCALE * D_IN, D_OUT), dtype=jnp.float32) * 0.02
    b = jnp.zeros((D_OUT,), dtype=jnp.float32)
    # BatchNorm1d(out_dim) learned affine params
    gamma = jnp.ones((D_OUT,), dtype=jnp.float32)
    beta = jnp.zeros((D_OUT,), dtype=jnp.float32)
    return {"h": h, "edge_index": edge_index, "e": e, "snorm_n": snorm_n,
            "W": W, "b": b, "gamma": gamma, "beta": beta}


def reference(h, edge_index, e, snorm_n, W, b, gamma, beta):
    src = edge_index[0]
    dst = edge_index[1]
    h_in = h
    # pretrans_edges / message_func: message e = h[src] (no 'eig' feature present)
    msg = jnp.take(h, src, axis=0)                       # [E, D_IN] gather
    deg = jax.ops.segment_sum(jnp.ones((E,), jnp.float32), dst, num_segments=N)  # [N]
    deg_safe = jnp.maximum(deg, 1.0)
    # reduce_func aggregators: mean, max, min over incoming messages
    agg_sum = jax.ops.segment_sum(msg, dst, num_segments=N)
    agg_mean = agg_sum / deg_safe[:, None]
    agg_max = jax.ops.segment_max(msg, dst, num_segments=N)
    agg_max = jnp.where(deg[:, None] > 0, agg_max, 0.0)
    agg_min = jax.ops.segment_min(msg, dst, num_segments=N)
    agg_min = jnp.where(deg[:, None] > 0, agg_min, 0.0)
    hc = jnp.concatenate([agg_mean, agg_max, agg_min], axis=1)   # [N, 3*D_IN]
    # scalers: identity, amplification, attenuation (PNA-style, D = degree)
    log_deg = jnp.log(deg + 1.0)
    amp = hc * (log_deg / AVG_D_LOG)[:, None]
    att = hc * (AVG_D_LOG / jnp.maximum(log_deg, 1e-6))[:, None]
    hs = jnp.concatenate([hc, amp, att], axis=1)                 # [N, 9*D_IN]
    # posttrans MLP (single linear, no last activation)
    out = hs @ W + b
    # graph_norm
    out = out * snorm_n
    # batch_norm (training-mode batch statistics, affine)
    mu = jnp.mean(out, axis=0)
    var = jnp.var(out, axis=0)
    out = (out - mu) / jnp.sqrt(var + BN_EPS) * gamma + beta
    out = jax.nn.relu(out)
    # residual (in_dim == out_dim)
    out = h_in + out
    # dropout p=0.0 -> identity
    return out

if __name__ == "__main__":
    import jax
    _d = setup_inputs()
    print(jax.jit(kernel)(*tuple(_d.values())))

</pallas_src>

<mosaic_0001>
#map = affine_map<(d0, d1) -> (0)>
#map1 = affine_map<(d0, d1) -> (0, 0)>
module attributes {stable_mosaic.version = 14 : i64} {
  func.func @agg_kernel(%arg0: i32, %arg1: i32, %arg2: memref<320000xi32, #tpu.memory_space<hbm>>, %arg3: memref<320000xi32, #tpu.memory_space<hbm>>, %arg4: memref<10000x128xf32, #tpu.memory_space<hbm>>, %arg5: memref<10240x128xf32, #tpu.memory_space<hbm>>, %arg6: memref<10240x128xf32, #tpu.memory_space<hbm>>, %arg7: memref<10240x128xf32, #tpu.memory_space<hbm>>, %arg8: memref<32x320xf32, #tpu.memory_space<hbm>>, %arg9: memref<320x128xf32, #tpu.memory_space<vmem>>, %arg10: memref<320x128xf32, #tpu.memory_space<vmem>>, %arg11: memref<320x128xf32, #tpu.memory_space<vmem>>, %arg12: memref<320xf32, #tpu.memory_space<vmem>>, %arg13: memref<640xi32, #tpu.memory_space<vmem>>, %arg14: memref<640xi32, #tpu.memory_space<vmem>>, %arg15: memref<656xi32, #tpu.memory_space<vmem>>, %arg16: memref<656xi32, #tpu.memory_space<vmem>>, %arg17: memref<32x128xf32, #tpu.memory_space<vmem>>) attributes {dimension_semantics = [#tpu.dimension_semantics<core_parallel>, #tpu.dimension_semantics<subcore_parallel>], iteration_bounds = array<i64: 2, 16>, scalar_prefetch = 0 : i64, scratch_operands = 9 : i64, tpu.core_type = #tpu.core_type<sc_vector_subcore>, window_params = [{transform_indices = #map}, {transform_indices = #map}, {transform_indices = #map1}, {transform_indices = #map1}, {transform_indices = #map1}, {transform_indices = #map1}, {transform_indices = #map1}]} {
    %mul3A = arith.constant 16 : i32
    %mul3A_0 = arith.muli %arg0, %mul3A : i32
    %add3A = arith.addi %mul3A_0, %arg1 : i32
    %mul3A_1 = arith.constant 320 : i32
    %mul3A_2 = arith.muli %add3A, %mul3A_1 : i32
    %iota3A = tpu.iota {dimensions = array<i32: 0>} : vector<16xi32>
    %broadcast_in_dim3A = arith.constant 1.000000e+00 : f32
    %broadcast_in_dim3A_3 = vector.broadcast %broadcast_in_dim3A : f32 to vector<16xf32>
    %scan3A = arith.constant 0 : i32
    %scan3A_4 = arith.constant 320 : i32
    %scan3A_5 = arith.addi %scan3A, %scan3A_4 : i32
    %scan3A_6 = arith.constant 1 : i32
    scf.for %scan3A_23 = %scan3A to %scan3A_5 step %scan3A_6  : i32 {
      %mul3A_24 = arith.constant 1 : i32
      %mul3A_25 = arith.muli %scan3A_23, %mul3A_24 : i32
      %add3A_26 = arith.constant 0 : i32
      %add3A_27 = arith.addi %add3A_26, %mul3A_25 : i32
      %broadcast_in_dim3A_28 = arith.constant 0.000000e+00 : f32
      %broadcast_in_dim3A_29 = vector.broadcast %broadcast_in_dim3A_28 : f32 to vector<16xf32>
      %swap3A = arith.index_cast %add3A_27 : i32 to index
      %swap3A_30 = arith.constant 0 : index
      %swap3A_31 = tpu.vector_load %arg9[%swap3A, %swap3A_30] {strides = array<i32>} : memref<320x128xf32, #tpu.memory_space<vmem>>, vector<16xf32>,
      tpu.vector_store %arg9[%swap3A, %swap3A_30], %broadcast_in_dim3A_29 {strides = array<i32>} : memref<320x128xf32, #tpu.memory_space<vmem>>, vector<16xf32>,
      %broadcast_in_dim3A_32 = arith.constant -3.000000e+38 : f32
      %broadcast_in_dim3A_33 = vector.broadcast %broadcast_in_dim3A_32 : f32 to vector<16xf32>
      %swap3A_34 = arith.index_cast %add3A_27 : i32 to index
      %swap3A_35 = arith.constant 0 : index
      %swap3A_36 = tpu.vector_load %arg10[%swap3A_34, %swap3A_35] {strides = array<i32>} : memref<320x128xf32, #tpu.memory_space<vmem>>, vector<16xf32>,
      tpu.vector_store %arg10[%swap3A_34, %swap3A_35], %broadcast_in_dim3A_33 {strides = array<i32>} : memref<320x128xf32, #tpu.memory_space<vmem>>, vector<16xf32>,
      %broadcast_in_dim3A_37 = arith.constant 3.000000e+38 : f32
      %broadcast_in_dim3A_38 = vector.broadcast %broadcast_in_dim3A_37 : f32 to vector<16xf32>
      %swap3A_39 = arith.index_cast %add3A_27 : i32 to index
      %swap3A_40 = arith.constant 0 : index
      %swap3A_41 = tpu.vector_load %arg11[%swap3A_39, %swap3A_40] {strides = array<i32>} : memref<320x128xf32, #tpu.memory_space<vmem>>, vector<16xf32>,
      tpu.vector_store %arg11[%swap3A_39, %swap3A_40], %broadcast_in_dim3A_38 {strides = array<i32>} : memref<320x128xf32, #tpu.memory_space<vmem>>, vector<16xf32>,
      %broadcast_in_dim3A_42 = arith.constant 0.000000e+00 : f32
      %broadcast_in_dim3A_43 = vector.broadcast %broadcast_in_dim3A_42 : f32 to vector<16xf32>
      %swap3A_44 = arith.index_cast %add3A_27 : i32 to index
      %swap3A_45 = arith.constant 16 : index
      %swap3A_46 = tpu.vector_load %arg9[%swap3A_44, %swap3A_45] {strides = array<i32>} : memref<320x128xf32, #tpu.memory_space<vmem>>, vector<16xf32>,
      tpu.vector_store %arg9[%swap3A_44, %swap3A_45], %broadcast_in_dim3A_43 {strides = array<i32>} : memref<320x128xf32, #tpu.memory_space<vmem>>, vector<16xf32>,
      %broadcast_in_dim3A_47 = arith.constant -3.000000e+38 : f32
      %broadcast_in_dim3A_48 = vector.broadcast %broadcast_in_dim3A_47 : f32 to vector<16xf32>
      %swap3A_49 = arith.index_cast %add3A_27 : i32 to index
      %swap3A_50 = arith.constant 16 : index
      %swap3A_51 = tpu.vector_load %arg10[%swap3A_49, %swap3A_50] {strides = array<i32>} : memref<320x128xf32, #tpu.memory_space<vmem>>, vector<16xf32>,
      tpu.vector_store %arg10[%swap3A_49, %swap3A_50], %broadcast_in_dim3A_48 {strides = array<i32>} : memref<320x128xf32, #tpu.memory_space<vmem>>, vector<16xf32>,
      %broadcast_in_dim3A_52 = arith.constant 3.000000e+38 : f32
      %broadcast_in_dim3A_53 = vector.broadcast %broadcast_in_dim3A_52 : f32 to vector<16xf32>
      %swap3A_54 = arith.index_cast %add3A_27 : i32 to index
      %swap3A_55 = arith.constant 16 : index
      %swap3A_56 = tpu.vector_load %arg11[%swap3A_54, %swap3A_55] {strides = array<i32>} : memref<320x128xf32, #tpu.memory_space<vmem>>, vector<16xf32>,
      tpu.vector_store %arg11[%swap3A_54, %swap3A_55], %broadcast_in_dim3A_53 {strides = array<i32>} : memref<320x128xf32, #tpu.memory_space<vmem>>, vector<16xf32>,
      %broadcast_in_dim3A_57 = arith.constant 0.000000e+00 : f32
      %broadcast_in_dim3A_58 = vector.broadcast %broadcast_in_dim3A_57 : f32 to vector<16xf32>
      %swap3A_59 = arith.index_cast %add3A_27 : i32 to index
      %swap3A_60 = arith.constant 32 : index
      %swap3A_61 = tpu.vector_load %arg9[%swap3A_59, %swap3A_60] {strides = array<i32>} : memref<320x128xf32, #tpu.memory_space<vmem>>, vector<16xf32>,
      tpu.vector_store %arg9[%swap3A_59, %swap3A_60], %broadcast_in_dim3A_58 {strides = array<i32>} : memref<320x128xf32, #tpu.memory_space<vmem>>, vector<16xf32>,
      %broadcast_in_dim3A_62 = arith.constant -3.000000e+38 : f32
      %broadcast_in_dim3A_63 = vector.broadcast %broadcast_in_dim3A_62 : f32 to vector<16xf32>
      %swap3A_64 = arith.index_cast %add3A_27 : i32 to index
      %swap3A_65 = arith.constant 32 : index
      %swap3A_66 = tpu.vector_load %arg10[%swap3A_64, %swap3A_65] {strides = array<i32>} : memref<320x128xf32, #tpu.memory_space<vmem>>, vector<16xf32>,
      tpu.vector_store %arg10[%swap3A_64, %swap3A_65], %broadcast_in_dim3A_63 {strides = array<i32>} : memref<320x128xf32, #tpu.memory_space<vmem>>, vector<16xf32>,
      %broadcast_in_dim3A_67 = arith.constant 3.000000e+38 : f32
      %broadcast_in_dim3A_68 = vector.broadcast %broadcast_in_dim3A_67 : f32 to vector<16xf32>
      %swap3A_69 = arith.index_cast %add3A_27 : i32 to index
      %swap3A_70 = arith.constant 32 : index
      %swap3A_71 = tpu.vector_load %arg11[%swap3A_69, %swap3A_70] {strides = array<i32>} : memref<320x128xf32, #tpu.memory_space<vmem>>, vector<16xf32>,
      tpu.vector_store %arg11[%swap3A_69, %swap3A_70], %broadcast_in_dim3A_68 {strides = array<i32>} : memref<320x128xf32, #tpu.memory_space<vmem>>, vector<16xf32>,
      %broadcast_in_dim3A_72 = arith.constant 0.000000e+00 : f32
      %broadcast_in_dim3A_73 = vector.broadcast %broadcast_in_dim3A_72 : f32 to vector<16xf32>
      %swap3A_74 = arith.index_cast %add3A_27 : i32 to index
      %swap3A_75 = arith.constant 48 : index
      %swap3A_76 = tpu.vector_load %arg9[%swap3A_74, %swap3A_75] {strides = array<i32>} : memref<320x128xf32, #tpu.memory_space<vmem>>, vector<16xf32>,
      tpu.vector_store %arg9[%swap3A_74, %swap3A_75], %broadcast_in_dim3A_73 {strides = array<i32>} : memref<320x128xf32, #tpu.memory_space<vmem>>, vector<16xf32>,
      %broadcast_in_dim3A_77 = arith.constant -3.000000e+38 : f32
      %broadcast_in_dim3A_78 = vector.broadcast %broadcast_in_dim3A_77 : f32 to vector<16xf32>
      %swap3A_79 = arith.index_cast %add3A_27 : i32 to index
      %swap3A_80 = arith.constant 48 : index
      %swap3A_81 = tpu.vector_load %arg10[%swap3A_79, %swap3A_80] {strides = array<i32>} : memref<320x128xf32, #tpu.memory_space<vmem>>, vector<16xf32>,
      tpu.vector_store %arg10[%swap3A_79, %swap3A_80], %broadcast_in_dim3A_78 {strides = array<i32>} : memref<320x128xf32, #tpu.memory_space<vmem>>, vector<16xf32>,
      %broadcast_in_dim3A_82 = arith.constant 3.000000e+38 : f32
      %broadcast_in_dim3A_83 = vector.broadcast %broadcast_in_dim3A_82 : f32 to vector<16xf32>
      %swap3A_84 = arith.index_cast %add3A_27 : i32 to index
      %swap3A_85 = arith.constant 48 : index
      %swap3A_86 = tpu.vector_load %arg11[%swap3A_84, %swap3A_85] {strides = array<i32>} : memref<320x128xf32, #tpu.memory_space<vmem>>, vector<16xf32>,
      tpu.vector_store %arg11[%swap3A_84, %swap3A_85], %broadcast_in_dim3A_83 {strides = array<i32>} : memref<320x128xf32, #tpu.memory_space<vmem>>, vector<16xf32>,
      %broadcast_in_dim3A_87 = arith.constant 0.000000e+00 : f32
      %broadcast_in_dim3A_88 = vector.broadcast %broadcast_in_dim3A_87 : f32 to vector<16xf32>
      %swap3A_89 = arith.index_cast %add3A_27 : i32 to index
      %swap3A_90 = arith.constant 64 : index
      %swap3A_91 = tpu.vector_load %arg9[%swap3A_89, %swap3A_90] {strides = array<i32>} : memref<320x128xf32, #tpu.memory_space<vmem>>, vector<16xf32>,
      tpu.vector_store %arg9[%swap3A_89, %swap3A_90], %broadcast_in_dim3A_88 {strides = array<i32>} : memref<320x128xf32, #tpu.memory_space<vmem>>, vector<16xf32>,
      %broadcast_in_dim3A_92 = arith.constant -3.000000e+38 : f32
      %broadcast_in_dim3A_93 = vector.broadcast %broadcast_in_dim3A_92 : f32 to vector<16xf32>
      %swap3A_94 = arith.index_cast %add3A_27 : i32 to index
      %swap3A_95 = arith.constant 64 : index
      %swap3A_96 = tpu.vector_load %arg10[%swap3A_94, %swap3A_95] {strides = array<i32>} : memref<320x128xf32, #tpu.memory_space<vmem>>, vector<16xf32>,
      tpu.vector_store %arg10[%swap3A_94, %swap3A_95], %broadcast_in_dim3A_93 {strides = array<i32>} : memref<320x128xf32, #tpu.memory_space<vmem>>, vector<16xf32>,
      %broadcast_in_dim3A_97 = arith.constant 3.000000e+38 : f32
      %broadcast_in_dim3A_98 = vector.broadcast %broadcast_in_dim3A_97 : f32 to vector<16xf32>
      %swap3A_99 = arith.index_cast %add3A_27 : i32 to index
      %swap3A_100 = arith.constant 64 : index
      %swap3A_101 = tpu.vector_load %arg11[%swap3A_99, %swap3A_100] {strides = array<i32>} : memref<320x128xf32, #tpu.memory_space<vmem>>, vector<16xf32>,
      tpu.vector_store %arg11[%swap3A_99, %swap3A_100], %broadcast_in_dim3A_98 {strides = array<i32>} : memref<320x128xf32, #tpu.memory_space<vmem>>, vector<16xf32>,
      %broadcast_in_dim3A_102 = arith.constant 0.000000e+00 : f32
      %broadcast_in_dim3A_103 = vector.broadcast %broadcast_in_dim3A_102 : f32 to vector<16xf32>
      %swap3A_104 = arith.index_cast %add3A_27 : i32 to index
      %swap3A_105 = arith.constant 80 : index
      %swap3A_106 = tpu.vector_load %arg9[%swap3A_104, %swap3A_105] {strides = array<i32>} : memref<320x128xf32, #tpu.memory_space<vmem>>, vector<16xf32>,
      tpu.vector_store %arg9[%swap3A_104, %swap3A_105], %broadcast_in_dim3A_103 {strides = array<i32>} : memref<320x128xf32, #tpu.memory_space<vmem>>, vector<16xf32>,
      %broadcast_in_dim3A_107 = arith.constant -3.000000e+38 : f32
      %broadcast_in_dim3A_108 = vector.broadcast %broadcast_in_dim3A_107 : f32 to vector<16xf32>
      %swap3A_109 = arith.index_cast %add3A_27 : i32 to index
      %swap3A_110 = arith.constant 80 : index
      %swap3A_111 = tpu.vector_load %arg10[%swap3A_109, %swap3A_110] {strides = array<i32>} : memref<320x128xf32, #tpu.memory_space<vmem>>, vector<16xf32>,
      tpu.vector_store %arg10[%swap3A_109, %swap3A_110], %broadcast_in_dim3A_108 {strides = array<i32>} : memref<320x128xf32, #tpu.memory_space<vmem>>, vector<16xf32>,
      %broadcast_in_dim3A_112 = arith.constant 3.000000e+38 : f32
      %broadcast_in_dim3A_113 = vector.broadcast %broadcast_in_dim3A_112 : f32 to vector<16xf32>
      %swap3A_114 = arith.index_cast %add3A_27 : i32 to index
      %swap3A_115 = arith.constant 80 : index
      %swap3A_116 = tpu.vector_load %arg11[%swap3A_114, %swap3A_115] {strides = array<i32>} : memref<320x128xf32, #tpu.memory_space<vmem>>, vector<16xf32>,
      tpu.vector_store %arg11[%swap3A_114, %swap3A_115], %broadcast_in_dim3A_113 {strides = array<i32>} : memref<320x128xf32, #tpu.memory_space<vmem>>, vector<16xf32>,
      %broadcast_in_dim3A_117 = arith.constant 0.000000e+00 : f32
      %broadcast_in_dim3A_118 = vector.broadcast %broadcast_in_dim3A_117 : f32 to vector<16xf32>
      %swap3A_119 = arith.index_cast %add3A_27 : i32 to index
      %swap3A_120 = arith.constant 96 : index
      %swap3A_121 = tpu.vector_load %arg9[%swap3A_119, %swap3A_120] {strides = array<i32>} : memref<320x128xf32, #tpu.memory_space<vmem>>, vector<16xf32>,
      tpu.vector_store %arg9[%swap3A_119, %swap3A_120], %broadcast_in_dim3A_118 {strides = array<i32>} : memref<320x128xf32, #tpu.memory_space<vmem>>, vector<16xf32>,
      %broadcast_in_dim3A_122 = arith.constant -3.000000e+38 : f32
      %broadcast_in_dim3A_123 = vector.broadcast %broadcast_in_dim3A_122 : f32 to vector<16xf32>
      %swap3A_124 = arith.index_cast %add3A_27 : i32 to index
      %swap3A_125 = arith.constant 96 : index
      %swap3A_126 = tpu.vector_load %arg10[%swap3A_124, %swap3A_125] {strides = array<i32>} : memref<320x128xf32, #tpu.memory_space<vmem>>, vector<16xf32>,
      tpu.vector_store %arg10[%swap3A_124, %swap3A_125], %broadcast_in_dim3A_123 {strides = array<i32>} : memref<320x128xf32, #tpu.memory_space<vmem>>, vector<16xf32>,
      %broadcast_in_dim3A_127 = arith.constant 3.000000e+38 : f32
      %broadcast_in_dim3A_128 = vector.broadcast %broadcast_in_dim3A_127 : f32 to vector<16xf32>
      %swap3A_129 = arith.index_cast %add3A_27 : i32 to index
      %swap3A_130 = arith.constant 96 : index
      %swap3A_131 = tpu.vector_load %arg11[%swap3A_129, %swap3A_130] {strides = array<i32>} : memref<320x128xf32, #tpu.memory_space<vmem>>, vector<16xf32>,
      tpu.vector_store %arg11[%swap3A_129, %swap3A_130], %broadcast_in_dim3A_128 {strides = array<i32>} : memref<320x128xf32, #tpu.memory_space<vmem>>, vector<16xf32>,
      %broadcast_in_dim3A_132 = arith.constant 0.000000e+00 : f32
      %broadcast_in_dim3A_133 = vector.broadcast %broadcast_in_dim3A_132 : f32 to vector<16xf32>
      %swap3A_134 = arith.index_cast %add3A_27 : i32 to index
      %swap3A_135 = arith.constant 112 : index
      %swap3A_136 = tpu.vector_load %arg9[%swap3A_134, %swap3A_135] {strides = array<i32>} : memref<320x128xf32, #tpu.memory_space<vmem>>, vector<16xf32>,
      tpu.vector_store %arg9[%swap3A_134, %swap3A_135], %broadcast_in_dim3A_133 {strides = array<i32>} : memref<320x128xf32, #tpu.memory_space<vmem>>, vector<16xf32>,
      %broadcast_in_dim3A_137 = arith.constant -3.000000e+38 : f32
      %broadcast_in_dim3A_138 = vector.broadcast %broadcast_in_dim3A_137 : f32 to vector<16xf32>
      %swap3A_139 = arith.index_cast %add3A_27 : i32 to index
      %swap3A_140 = arith.constant 112 : index
      %swap3A_141 = tpu.vector_load %arg10[%swap3A_139, %swap3A_140] {strides = array<i32>} : memref<320x128xf32, #tpu.memory_space<vmem>>, vector<16xf32>,
      tpu.vector_store %arg10[%swap3A_139, %swap3A_140], %broadcast_in_dim3A_138 {strides = array<i32>} : memref<320x128xf32, #tpu.memory_space<vmem>>, vector<16xf32>,
      %broadcast_in_dim3A_142 = arith.constant 3.000000e+38 : f32
      %broadcast_in_dim3A_143 = vector.broadcast %broadcast_in_dim3A_142 : f32 to vector<16xf32>
      %swap3A_144 = arith.index_cast %add3A_27 : i32 to index
      %swap3A_145 = arith.constant 112 : index
      %swap3A_146 = tpu.vector_load %arg11[%swap3A_144, %swap3A_145] {strides = array<i32>} : memref<320x128xf32, #tpu.memory_space<vmem>>, vector<16xf32>,
      tpu.vector_store %arg11[%swap3A_144, %swap3A_145], %broadcast_in_dim3A_143 {strides = array<i32>} : memref<320x128xf32, #tpu.memory_space<vmem>>, vector<16xf32>,
    }
    %scan3A_7 = arith.constant 320 : i32
    %scan3A_8 = arith.constant 0 : i32
    %scan3A_9 = arith.constant 20 : i32
    %scan3A_10 = arith.addi %scan3A_8, %scan3A_9 : i32
    %scan3A_11 = arith.constant 1 : i32
    scf.for %scan3A_23 = %scan3A_8 to %scan3A_10 step %scan3A_11  : i32 {
      %mul3A_24 = arith.constant 1 : i32
      %mul3A_25 = arith.muli %scan3A_23, %mul3A_24 : i32
      %add3A_26 = arith.constant 0 : i32
      %add3A_27 = arith.addi %add3A_26, %mul3A_25 : i32
      %broadcast_in_dim3A_28 = arith.constant 0.000000e+00 : f32
      %broadcast_in_dim3A_29 = vector.broadcast %broadcast_in_dim3A_28 : f32 to vector<16xf32>
      %mul3A_30 = arith.constant 16 : i32
      %mul3A_31 = arith.muli %add3A_27, %mul3A_30 : i32
      %swap3A = arith.index_cast %mul3A_31 : i32 to index
      %swap3A_32 = tpu.vector_load %arg12[%swap3A] {strides = array<i32>} : memref<320xf32, #tpu.memory_space<vmem>>, vector<16xf32>,
      tpu.vector_store %arg12[%swap3A], %broadcast_in_dim3A_29 {strides = array<i32>} : memref<320xf32, #tpu.memory_space<vmem>>, vector<16xf32>,
    }
    %scan3A_12 = arith.constant 20 : i32
    %scan3A_13 = arith.constant 0 : i32
    %scan3A_14 = arith.constant 40 : i32
    %scan3A_15 = arith.addi %scan3A_13, %scan3A_14 : i32
    %scan3A_16 = arith.constant 1 : i32
    scf.for %scan3A_23 = %scan3A_13 to %scan3A_15 step %scan3A_16  : i32 {
      %mul3A_24 = arith.constant 1 : i32
      %mul3A_25 = arith.muli %scan3A_23, %mul3A_24 : i32
      %add3A_26 = arith.constant 0 : i32
      %add3A_27 = arith.addi %add3A_26, %mul3A_25 : i32
      %broadcast_in_dim3A_28 = arith.constant 0 : i32
      %broadcast_in_dim3A_29 = vector.broadcast %broadcast_in_dim3A_28 : i32 to vector<16xi32>
      %mul3A_30 = arith.constant 16 : i32
      %mul3A_31 = arith.muli %add3A_27, %mul3A_30 : i32
      %swap3A = arith.index_cast %mul3A_31 : i32 to index
      %swap3A_32 = tpu.vector_load %arg15[%swap3A] {strides = array<i32>} : memref<656xi32, #tpu.memory_space<vmem>>, vector<16xi32>,
      tpu.vector_store %arg15[%swap3A], %broadcast_in_dim3A_29 {strides = array<i32>} : memref<656xi32, #tpu.memory_space<vmem>>, vector<16xi32>,
      %broadcast_in_dim3A_33 = arith.constant 0 : i32
      %broadcast_in_dim3A_34 = vector.broadcast %broadcast_in_dim3A_33 : i32 to vector<16xi32>
      %mul3A_35 = arith.constant 16 : i32
      %mul3A_36 = arith.muli %add3A_27, %mul3A_35 : i32
      %swap3A_37 = arith.index_cast %mul3A_36 : i32 to index
      %swap3A_38 = tpu.vector_load %arg16[%swap3A_37] {strides = array<i32>} : memref<656xi32, #tpu.memory_space<vmem>>, vector<16xi32>,
      tpu.vector_store %arg16[%swap3A_37], %broadcast_in_dim3A_34 {strides = array<i32>} : memref<656xi32, #tpu.memory_space<vmem>>, vector<16xi32>,
    }
    %scan3A_17 = arith.constant 40 : i32
    %scan3A_18 = arith.constant 0 : i32
    %scan3A_19 = arith.constant 500 : i32
    %scan3A_20 = arith.addi %scan3A_18, %scan3A_19 : i32
    %scan3A_21 = arith.constant 1 : i32
    scf.for %scan3A_23 = %scan3A_18 to %scan3A_20 step %scan3A_21  : i32 {
      %mul3A_24 = arith.constant 1 : i32
      %mul3A_25 = arith.muli %scan3A_23, %mul3A_24 : i32
      %add3A_26 = arith.constant 0 : i32
      %add3A_27 = arith.addi %add3A_26, %mul3A_25 : i32
      %mul3A_28 = arith.constant 640 : i32
      %mul3A_29 = arith.muli %add3A_27, %mul3A_28 : i32
      "tpu.region"() ({
        %run_scoped3A = tpu.sem_alloc : memref<!tpu.dma_semaphore, #tpu.memory_space<semaphore_mem>>
        %dma_start3A = tpu.memref_slice %arg2[%mul3A_29] : memref<320000xi32, #tpu.memory_space<hbm>> -> memref<640xi32, #tpu.memory_space<hbm>>
        %dma_start3A_70 = tpu.memref_slice %arg2[%mul3A_29] : memref<320000xi32, #tpu.memory_space<hbm>> -> memref<640xi32, #tpu.memory_space<hbm>>
        tpu.enqueue_dma source(%dma_start3A_70 : memref<640xi32, #tpu.memory_space<hbm>>) target(%arg13 : memref<640xi32, #tpu.memory_space<vmem>>) target_semaphore(%run_scoped3A : memref<!tpu.dma_semaphore, #tpu.memory_space<semaphore_mem>>)
        %dma_wait3A = tpu.memref_slice %arg2[%mul3A_29] : memref<320000xi32, #tpu.memory_space<hbm>> -> memref<640xi32, #tpu.memory_space<hbm>>
        %dma_wait3A_71 = tpu.memref_slice %arg2[%mul3A_29] : memref<320000xi32, #tpu.memory_space<hbm>> -> memref<640xi32, #tpu.memory_space<hbm>>
        tpu.wait_dma2 semaphore(%run_scoped3A : memref<!tpu.dma_semaphore, #tpu.memory_space<semaphore_mem>>) src(%dma_wait3A_71 : memref<640xi32, #tpu.memory_space<hbm>>) dst(%arg13 : memref<640xi32, #tpu.memory_space<vmem>>)
        tpu.yield
      }) : () -> ()
      %mul3A_30 = arith.constant 640 : i32
      %mul3A_31 = arith.muli %add3A_27, %mul3A_30 : i32
      "tpu.region"() ({
        %run_scoped3A = tpu.sem_alloc : memref<!tpu.dma_semaphore, #tpu.memory_space<semaphore_mem>>
        %dma_start3A = tpu.memref_slice %arg3[%mul3A_31] : memref<320000xi32, #tpu.memory_space<hbm>> -> memref<640xi32, #tpu.memory_space<hbm>>
        %dma_start3A_70 = tpu.memref_slice %arg3[%mul3A_31] : memref<320000xi32, #tpu.memory_space<hbm>> -> memref<640xi32, #tpu.memory_space<hbm>>
        tpu.enqueue_dma source(%dma_start3A_70 : memref<640xi32, #tpu.memory_space<hbm>>) target(%arg14 : memref<640xi32, #tpu.memory_space<vmem>>) target_semaphore(%run_scoped3A : memref<!tpu.dma_semaphore, #tpu.memory_space<semaphore_mem>>)
        %dma_wait3A = tpu.memref_slice %arg3[%mul3A_31] : memref<320000xi32, #tpu.memory_space<hbm>> -> memref<640xi32, #tpu.memory_space<hbm>>
        %dma_wait3A_71 = tpu.memref_slice %arg3[%mul3A_31] : memref<320000xi32, #tpu.memory_space<hbm>> -> memref<640xi32, #tpu.memory_space<hbm>>
        tpu.wait_dma2 semaphore(%run_scoped3A : memref<!tpu.dma_semaphore, #tpu.memory_space<semaphore_mem>>) src(%dma_wait3A_71 : memref<640xi32, #tpu.memory_space<hbm>>) dst(%arg14 : memref<640xi32, #tpu.memory_space<vmem>>)
        tpu.yield
      }) : () -> ()
      %scan3A_32 = arith.constant 0 : i32
      %scan3A_33 = arith.constant 0 : i32
      %scan3A_34 = arith.constant 40 : i32
      %scan3A_35 = arith.addi %scan3A_33, %scan3A_34 : i32
      %scan3A_36 = arith.constant 1 : i32
      %scan3A_37 = scf.for %scan3A_70 = %scan3A_33 to %scan3A_35 step %scan3A_36 iter_args(%scan3A_71 = %scan3A_32) -> (i32)  : i32 {
        %mul3A_72 = arith.constant 16 : i32
        %mul3A_73 = arith.muli %scan3A_70, %mul3A_72 : i32
        %get3A = arith.index_cast %mul3A_73 : i32 to index
        %get3A_74 = tpu.vector_load %arg14[%get3A] {strides = array<i32>} : memref<640xi32, #tpu.memory_space<vmem>>, vector<16xi32>,
        %mul3A_75 = arith.constant 16 : i32
        %mul3A_76 = arith.muli %scan3A_70, %mul3A_75 : i32
        %get3A_77 = arith.index_cast %mul3A_76 : i32 to index
        %get3A_78 = tpu.vector_load %arg13[%get3A_77] {strides = array<i32>} : memref<640xi32, #tpu.memory_space<vmem>>, vector<16xi32>,
        %ge3A = vector.broadcast %mul3A_2 : i32 to vector<16xi32>
        %ge3A_79 = arith.cmpi sge, %get3A_74, %ge3A : vector<16xi32>
        %add3A_80 = arith.constant 320 : i32
        %add3A_81 = arith.addi %mul3A_2, %add3A_80 : i32
        %lt3A = vector.broadcast %add3A_81 : i32 to vector<16xi32>
        %lt3A_82 = arith.cmpi slt, %get3A_74, %lt3A : vector<16xi32>
        %and3A_83 = arith.andi %ge3A_79, %lt3A_82 : vector<16xi1>
        %sub3A_84 = vector.broadcast %mul3A_2 : i32 to vector<16xi32>
        %sub3A_85 = arith.subi %get3A_74, %sub3A_84 : vector<16xi32>
        %jit3A_86 = arith.constant 0 : i32
        %jit3A_87 = arith.constant 319 : i32
        %max3A = vector.broadcast %jit3A_86 : i32 to vector<16xi32>
        %max3A_88 = arith.maxsi %max3A, %sub3A_85 : vector<16xi32>
        %min3A = vector.broadcast %jit3A_87 : i32 to vector<16xi32>
        %min3A_89 = arith.minsi %min3A, %max3A_88 : vector<16xi32>
        tpu.vector_store_idx %arg12[%min3A_89], %broadcast_in_dim3A_3 masked %and3A_83 {add = true} : memref<320xf32, #tpu.memory_space<vmem>>[vector<16xi32>], vector<16xf32>, vector<16xi1>
        %swap3A = arith.index_cast %scan3A_71 : i32 to index
        %swap3A_90 = tpu.vector_load %arg15[%swap3A] masked %and3A_83 {strides = array<i32>} : memref<656xi32, #tpu.memory_space<vmem>>, vector<16xi32>, vector<16xi1>
        tpu.vector_store %arg15[%swap3A], %get3A_78 masked %and3A_83 {strides = array<i32>} : memref<656xi32, #tpu.memory_space<vmem>>, vector<16xi32>, vector<16xi1>
        %swap3A_91 = arith.index_cast %scan3A_71 : i32 to index
        %swap3A_92 = tpu.vector_load %arg16[%swap3A_91] masked %and3A_83 {strides = array<i32>} : memref<656xi32, #tpu.memory_space<vmem>>, vector<16xi32>, vector<16xi1>
        tpu.vector_store %arg16[%swap3A_91], %min3A_89 masked %and3A_83 {strides = array<i32>} : memref<656xi32, #tpu.memory_space<vmem>>, vector<16xi32>, vector<16xi1>
        %convert_element_type3A = arith.extui %and3A_83 : vector<16xi1> to vector<16xi32>
        %reduce_sum3A = arith.constant true
        %reduce_sum3A_93 = vector.broadcast %reduce_sum3A : i1 to vector<16xi1>
        %reduce_sum3A_94 = tpu.scan <sum>, %convert_element_type3A masked %reduce_sum3A_93 : vector<16xi32>, vector<16xi1> -> vector<16xi32>
        %reduce_sum3A_95 = vector.extract %reduce_sum3A_94[15] : i32 from vector<16xi32>
        %add3A_96 = arith.addi %scan3A_71, %reduce_sum3A_95 : i32
        scf.yield %add3A_96 : i32
      }
      %scan3A_38 = arith.constant 40 : i32
      %add3A_39 = arith.constant 32 : i32
      %add3A_40 = arith.addi %scan3A_37, %add3A_39 : i32
      %sub3A = arith.constant 1 : i32
      %sub3A_41 = arith.subi %add3A_40, %sub3A : i32
      %jit3A = arith.constant 32 : i32
      %div3A = arith.divsi %sub3A_41, %jit3A : i32
      %sign3A = arith.constant 0 : i32
      %sign3A_42 = arith.cmpi sgt, %sub3A_41, %sign3A : i32
      %sign3A_43 = arith.extui %sign3A_42 : i1 to i32
      %sign3A_44 = arith.constant 0 : i32
      %sign3A_45 = arith.cmpi slt, %sub3A_41, %sign3A_44 : i32
      %sign3A_46 = arith.extui %sign3A_45 : i1 to i32
      %sign3A_47 = arith.subi %sign3A_43, %sign3A_46 : i32
      %sign3A_48 = arith.constant 0 : i32
      %sign3A_49 = arith.cmpi sgt, %jit3A, %sign3A_48 : i32
      %sign3A_50 = arith.extui %sign3A_49 : i1 to i32
      %sign3A_51 = arith.constant 0 : i32
      %sign3A_52 = arith.cmpi slt, %jit3A, %sign3A_51 : i32
      %sign3A_53 = arith.extui %sign3A_52 : i1 to i32
      %sign3A_54 = arith.subi %sign3A_50, %sign3A_53 : i32
      %ne3A = arith.cmpi ne, %sign3A_47, %sign3A_54 : i32
      %rem3A = arith.remsi %sub3A_41, %jit3A : i32
      %ne3A_55 = arith.constant 0 : i32
      %ne3A_56 = arith.cmpi ne, %rem3A, %ne3A_55 : i32
      %and3A = arith.andi %ne3A, %ne3A_56 : i1
      %sub3A_57 = arith.constant 1 : i32
      %sub3A_58 = arith.subi %div3A, %sub3A_57 : i32
      %select_n3A = arith.select %and3A, %sub3A_58, %div3A : i32
      %while3A = arith.constant 0 : i32
      %while3A_59 = arith.constant 0 : i32
      %while3A_60 = arith.subi %select_n3A, %while3A : i32
      %while3A_61 = arith.addi %while3A, %while3A_60 : i32
      %while3A_62 = arith.constant 1 : i32
      %while3A_63 = arith.divsi %while3A_60, %while3A_62 : i32
      %while3A_64 = arith.muli %while3A_63, %while3A_62 : i32
      %while3A_65 = arith.addi %while3A, %while3A_64 : i32
      %while3A_66 = arith.constant 1 : i32
      %while3A_67 = scf.for %while3A_70 = %while3A to %while3A_65 step %while3A_66 iter_args(%while3A_71 = %while3A_59) -> (i32)  : i32 {
        %mul3A_72 = arith.constant 32 : i32
        %mul3A_73 = arith.muli %while3A_70, %mul3A_72 : i32
        "tpu.region"() ({
          %run_scoped3A = tpu.sem_alloc : memref<!tpu.dma_semaphore, #tpu.memory_space<semaphore_mem>>
          %dma_start3A = tpu.memref_slice %arg15[%mul3A_73] : memref<656xi32, #tpu.memory_space<vmem>> -> memref<32xi32, #tpu.memory_space<vmem>>
          %dma_start3A_91 = arith.constant 0 : i32
          %dma_start3A_92 = arith.constant 0 : i32
          %dma_start3A_93 = tpu.memref_slice %arg4[%dma_start3A_91, %dma_start3A_92] : memref<10000x128xf32, #tpu.memory_space<hbm>> -> memref<10000x128xf32, #tpu.memory_space<hbm>>
          tpu.enqueue_indirect_dma source(%dma_start3A_93 : memref<10000x128xf32, #tpu.memory_space<hbm>>) target(%arg17 : memref<32x128xf32, #tpu.memory_space<vmem>>) offsets(%dma_start3A : memref<32xi32, #tpu.memory_space<vmem>>) semaphore(%run_scoped3A : memref<!tpu.dma_semaphore, #tpu.memory_space<semaphore_mem>>)
          %dma_wait3A = tpu.memref_slice %arg15[%mul3A_73] : memref<656xi32, #tpu.memory_space<vmem>> -> memref<32xi32, #tpu.memory_space<vmem>>
          %dma_wait3A_94 = arith.constant 0 : i32
          %dma_wait3A_95 = arith.constant 0 : i32
          %dma_wait3A_96 = tpu.memref_slice %arg4[%dma_wait3A_94, %dma_wait3A_95] : memref<10000x128xf32, #tpu.memory_space<hbm>> -> memref<10000x128xf32, #tpu.memory_space<hbm>>
          tpu.wait_indirect_dma semaphore(%run_scoped3A : memref<!tpu.dma_semaphore, #tpu.memory_space<semaphore_mem>>) src(%dma_wait3A_96 : memref<10000x128xf32, #tpu.memory_space<hbm>>) dst(%arg17 : memref<32x128xf32, #tpu.memory_space<vmem>>)
          tpu.yield
        }) : () -> ()
        %mul3A_74 = arith.constant 32 : i32
        %mul3A_75 = arith.muli %while3A_70, %mul3A_74 : i32
        %sub3A_76 = arith.subi %scan3A_37, %mul3A_75 : i32
        %min3A = arith.constant 32 : i32
        %min3A_77 = arith.minsi %sub3A_76, %min3A : i32
        %while3A_78 = arith.constant 0 : i32
        %while3A_79 = arith.constant 0 : i32
        %while3A_80 = arith.subi %min3A_77, %while3A_78 : i32
        %while3A_81 = arith.addi %while3A_78, %while3A_80 : i32
        %while3A_82 = arith.constant 1 : i32
        %while3A_83 = arith.divsi %while3A_80, %while3A_82 : i32
        %while3A_84 = arith.muli %while3A_83, %while3A_82 : i32
        %while3A_85 = arith.addi %while3A_78, %while3A_84 : i32
        %while3A_86 = arith.constant 1 : i32
        %while3A_87 = scf.for %while3A_91 = %while3A_78 to %while3A_85 step %while3A_86 iter_args(%while3A_92 = %while3A_79) -> (i32)  : i32 {
          %mul3A_93 = arith.constant 32 : i32
          %mul3A_94 = arith.muli %while3A_70, %mul3A_93 : i32
          %add3A_95 = arith.addi %mul3A_94, %while3A_91 : i32
          %shift_right_arithmetic3A = arith.constant 4 : i32
          %shift_right_arithmetic3A_96 = arith.shrsi %add3A_95, %shift_right_arithmetic3A : i32
          %shift_left3A = arith.constant 4 : i32
          %shift_left3A_97 = arith.shli %shift_right_arithmetic3A_96, %shift_left3A : i32
          %and3A_98 = arith.constant 15 : i32
          %and3A_99 = arith.andi %add3A_95, %and3A_98 : i32
          %get3A = arith.index_cast %shift_left3A_97 : i32 to index
          %get3A_100 = tpu.vector_load %arg16[%get3A] {strides = array<i32>} : memref<656xi32, #tpu.memory_space<vmem>>, vector<16xi32>,
          %eq3A = vector.broadcast %and3A_99 : i32 to vector<16xi32>
          %eq3A_101 = arith.cmpi eq, %iota3A, %eq3A : vector<16xi32>
          %jit3A_102 = arith.constant 0 : i32
          %broadcast_in_dim3A_103 = vector.broadcast %jit3A_102 : i32 to vector<16xi32>
          %select_n3A_104 = arith.select %eq3A_101, %get3A_100, %broadcast_in_dim3A_103 : vector<16xi1>, vector<16xi32>
          %reduce_sum3A = arith.constant true
          %reduce_sum3A_105 = vector.broadcast %reduce_sum3A : i1 to vector<16xi1>
          %reduce_sum3A_106 = tpu.scan <sum>, %select_n3A_104 masked %reduce_sum3A_105 : vector<16xi32>, vector<16xi1> -> vector<16xi32>
          %reduce_sum3A_107 = vector.extract %reduce_sum3A_106[15] : i32 from vector<16xi32>
          %get3A_108 = arith.index_cast %while3A_91 : i32 to index
          %get3A_109 = arith.constant 0 : index
          %get3A_110 = tpu.vector_load %arg17[%get3A_108, %get3A_109] {strides = array<i32>} : memref<32x128xf32, #tpu.memory_space<vmem>>, vector<16xf32>,
          %get3A_111 = arith.index_cast %reduce_sum3A_107 : i32 to index
          %get3A_112 = arith.constant 0 : index
          %get3A_113 = tpu.vector_load %arg9[%get3A_111, %get3A_112] {strides = array<i32>} : memref<320x128xf32, #tpu.memory_space<vmem>>, vector<16xf32>,
          %add3A_114 = arith.addf %get3A_113, %get3A_110 : vector<16xf32>
          %swap3A = arith.index_cast %reduce_sum3A_107 : i32 to index
          %swap3A_115 = arith.constant 0 : index
          %swap3A_116 = tpu.vector_load %arg9[%swap3A, %swap3A_115] {strides = array<i32>} : memref<320x128xf32, #tpu.memory_space<vmem>>, vector<16xf32>,
          tpu.vector_store %arg9[%swap3A, %swap3A_115], %add3A_114 {strides = array<i32>} : memref<320x128xf32, #tpu.memory_space<vmem>>, vector<16xf32>,
          %get3A_117 = arith.index_cast %reduce_sum3A_107 : i32 to index
          %get3A_118 = arith.constant 0 : index
          %get3A_119 = tpu.vector_load %arg10[%get3A_117, %get3A_118] {strides = array<i32>} : memref<320x128xf32, #tpu.memory_space<vmem>>, vector<16xf32>,
          %max3A = arith.maximumf %get3A_119, %get3A_110 : vector<16xf32>
          %swap3A_120 = arith.index_cast %reduce_sum3A_107 : i32 to index
          %swap3A_121 = arith.constant 0 : index
          %swap3A_122 = tpu.vector_load %arg10[%swap3A_120, %swap3A_121] {strides = array<i32>} : memref<320x128xf32, #tpu.memory_space<vmem>>, vector<16xf32>,
          tpu.vector_store %arg10[%swap3A_120, %swap3A_121], %max3A {strides = array<i32>} : memref<320x128xf32, #tpu.memory_space<vmem>>, vector<16xf32>,
          %get3A_123 = arith.index_cast %reduce_sum3A_107 : i32 to index
          %get3A_124 = arith.constant 0 : index
          %get3A_125 = tpu.vector_load %arg11[%get3A_123, %get3A_124] {strides = array<i32>} : memref<320x128xf32, #tpu.memory_space<vmem>>, vector<16xf32>,
          %min3A_126 = arith.minimumf %get3A_125, %get3A_110 : vector<16xf32>
          %swap3A_127 = arith.index_cast %reduce_sum3A_107 : i32 to index
          %swap3A_128 = arith.constant 0 : index
          %swap3A_129 = tpu.vector_load %arg11[%swap3A_127, %swap3A_128] {strides = array<i32>} : memref<320x128xf32, #tpu.memory_space<vmem>>, vector<16xf32>,
          tpu.vector_store %arg11[%swap3A_127, %swap3A_128], %min3A_126 {strides = array<i32>} : memref<320x128xf32, #tpu.memory_space<vmem>>, vector<16xf32>,
          %get3A_130 = arith.index_cast %while3A_91 : i32 to index
          %get3A_131 = arith.constant 16 : index
          %get3A_132 = tpu.vector_load %arg17[%get3A_130, %get3A_131] {strides = array<i32>} : memref<32x128xf32, #tpu.memory_space<vmem>>, vector<16xf32>,
          %get3A_133 = arith.index_cast %reduce_sum3A_107 : i32 to index
          %get3A_134 = arith.constant 16 : index
          %get3A_135 = tpu.vector_load %arg9[%get3A_133, %get3A_134] {strides = array<i32>} : memref<320x128xf32, #tpu.memory_space<vmem>>, vector<16xf32>,
          %add3A_136 = arith.addf %get3A_135, %get3A_132 : vector<16xf32>
          %swap3A_137 = arith.index_cast %reduce_sum3A_107 : i32 to index
          %swap3A_138 = arith.constant 16 : index
          %swap3A_139 = tpu.vector_load %arg9[%swap3A_137, %swap3A_138] {strides = array<i32>} : memref<320x128xf32, #tpu.memory_space<vmem>>, vector<16xf32>,
          tpu.vector_store %arg9[%swap3A_137, %swap3A_138], %add3A_136 {strides = array<i32>} : memref<320x128xf32, #tpu.memory_space<vmem>>, vector<16xf32>,
          %get3A_140 = arith.index_cast %reduce_sum3A_107 : i32 to index
          %get3A_141 = arith.constant 16 : index
          %get3A_142 = tpu.vector_load %arg10[%get3A_140, %get3A_141] {strides = array<i32>} : memref<320x128xf32, #tpu.memory_space<vmem>>, vector<16xf32>,
          %max3A_143 = arith.maximumf %get3A_142, %get3A_132 : vector<16xf32>
          %swap3A_144 = arith.index_cast %reduce_sum3A_107 : i32 to index
          %swap3A_145 = arith.constant 16 : index
          %swap3A_146 = tpu.vector_load %arg10[%swap3A_144, %swap3A_145] {strides = array<i32>} : memref<320x128xf32, #tpu.memory_space<vmem>>, vector<16xf32>,
          tpu.vector_store %arg10[%swap3A_144, %swap3A_145], %max3A_143 {strides = array<i32>} : memref<320x128xf32, #tpu.memory_space<vmem>>, vector<16xf32>,
          %get3A_147 = arith.index_cast %reduce_sum3A_107 : i32 to index
          %get3A_148 = arith.constant 16 : index
          %get3A_149 = tpu.vector_load %arg11[%get3A_147, %get3A_148] {strides = array<i32>} : memref<320x128xf32, #tpu.memory_space<vmem>>, vector<16xf32>,
          %min3A_150 = arith.minimumf %get3A_149, %get3A_132 : vector<16xf32>
          %swap3A_151 = arith.index_cast %reduce_sum3A_107 : i32 to index
          %swap3A_152 = arith.constant 16 : index
          %swap3A_153 = tpu.vector_load %arg11[%swap3A_151, %swap3A_152] {strides = array<i32>} : memref<320x128xf32, #tpu.memory_space<vmem>>, vector<16xf32>,
          tpu.vector_store %arg11[%swap3A_151, %swap3A_152], %min3A_150 {strides = array<i32>} : memref<320x128xf32, #tpu.memory_space<vmem>>, vector<16xf32>,
          %get3A_154 = arith.index_cast %while3A_91 : i32 to index
          %get3A_155 = arith.constant 32 : index
          %get3A_156 = tpu.vector_load %arg17[%get3A_154, %get3A_155] {strides = array<i32>} : memref<32x128xf32, #tpu.memory_space<vmem>>, vector<16xf32>,
          %get3A_157 = arith.index_cast %reduce_sum3A_107 : i32 to index
          %get3A_158 = arith.constant 32 : index
          %get3A_159 = tpu.vector_load %arg9[%get3A_157, %get3A_158] {strides = array<i32>} : memref<320x128xf32, #tpu.memory_space<vmem>>, vector<16xf32>,
          %add3A_160 = arith.addf %get3A_159, %get3A_156 : vector<16xf32>
          %swap3A_161 = arith.index_cast %reduce_sum3A_107 : i32 to index
          %swap3A_162 = arith.constant 32 : index
          %swap3A_163 = tpu.vector_load %arg9[%swap3A_161, %swap3A_162] {strides = array<i32>} : memref<320x128xf32, #tpu.memory_space<vmem>>, vector<16xf32>,
          tpu.vector_store %arg9[%swap3A_161, %swap3A_162], %add3A_160 {strides = array<i32>} : memref<320x128xf32, #tpu.memory_space<vmem>>, vector<16xf32>,
          %get3A_164 = arith.index_cast %reduce_sum3A_107 : i32 to index
          %get3A_165 = arith.constant 32 : index
          %get3A_166 = tpu.vector_load %arg10[%get3A_164, %get3A_165] {strides = array<i32>} : memref<320x128xf32, #tpu.memory_space<vmem>>, vector<16xf32>,
          %max3A_167 = arith.maximumf %get3A_166, %get3A_156 : vector<16xf32>
          %swap3A_168 = arith.index_cast %reduce_sum3A_107 : i32 to index
          %swap3A_169 = arith.constant 32 : index
          %swap3A_170 = tpu.vector_load %arg10[%swap3A_168, %swap3A_169] {strides = array<i32>} : memref<320x128xf32, #tpu.memory_space<vmem>>, vector<16xf32>,
          tpu.vector_store %arg10[%swap3A_168, %swap3A_169], %max3A_167 {strides = array<i32>} : memref<320x128xf32, #tpu.memory_space<vmem>>, vector<16xf32>,
          %get3A_171 = arith.index_cast %reduce_sum3A_107 : i32 to index
          %get3A_172 = arith.constant 32 : index
          %get3A_173 = tpu.vector_load %arg11[%get3A_171, %get3A_172] {strides = array<i32>} : memref<320x128xf32, #tpu.memory_space<vmem>>, vector<16xf32>,
          %min3A_174 = arith.minimumf %get3A_173, %get3A_156 : vector<16xf32>
          %swap3A_175 = arith.index_cast %reduce_sum3A_107 : i32 to index
          %swap3A_176 = arith.constant 32 : index
          %swap3A_177 = tpu.vector_load %arg11[%swap3A_175, %swap3A_176] {strides = array<i32>} : memref<320x128xf32, #tpu.memory_space<vmem>>, vector<16xf32>,
          tpu.vector_store %arg11[%swap3A_175, %swap3A_176], %min3A_174 {strides = array<i32>} : memref<320x128xf32, #tpu.memory_space<vmem>>, vector<16xf32>,
          %get3A_178 = arith.index_cast %while3A_91 : i32 to index
          %get3A_179 = arith.constant 48 : index
          %get3A_180 = tpu.vector_load %arg17[%get3A_178, %get3A_179] {strides = array<i32>} : memref<32x128xf32, #tpu.memory_space<vmem>>, vector<16xf32>,
          %get3A_181 = arith.index_cast %reduce_sum3A_107 : i32 to index
          %get3A_182 = arith.constant 48 : index
          %get3A_183 = tpu.vector_load %arg9[%get3A_181, %get3A_182] {strides = array<i32>} : memref<320x128xf32, #tpu.memory_space<vmem>>, vector<16xf32>,
          %add3A_184 = arith.addf %get3A_183, %get3A_180 : vector<16xf32>
          %swap3A_185 = arith.index_cast %reduce_sum3A_107 : i32 to index
          %swap3A_186 = arith.constant 48 : index
          %swap3A_187 = tpu.vector_load %arg9[%swap3A_185, %swap3A_186] {strides = array<i32>} : memref<320x128xf32, #tpu.memory_space<vmem>>, vector<16xf32>,
          tpu.vector_store %arg9[%swap3A_185, %swap3A_186], %add3A_184 {strides = array<i32>} : memref<320x128xf32, #tpu.memory_space<vmem>>, vector<16xf32>,
          %get3A_188 = arith.index_cast %reduce_sum3A_107 : i32 to index
          %get3A_189 = arith.constant 48 : index
          %get3A_190 = tpu.vector_load %arg10[%get3A_188, %get3A_189] {strides = array<i32>} : memref<320x128xf32, #tpu.memory_space<vmem>>, vector<16xf32>,
          %max3A_191 = arith.maximumf %get3A_190, %get3A_180 : vector<16xf32>
          %swap3A_192 = arith.index_cast %reduce_sum3A_107 : i32 to index
          %swap3A_193 = arith.constant 48 : index
          %swap3A_194 = tpu.vector_load %arg10[%swap3A_192, %swap3A_193] {strides = array<i32>} : memref<320x128xf32, #tpu.memory_space<vmem>>, vector<16xf32>,
          tpu.vector_store %arg10[%swap3A_192, %swap3A_193], %max3A_191 {strides = array<i32>} : memref<320x128xf32, #tpu.memory_space<vmem>>, vector<16xf32>,
          %get3A_195 = arith.index_cast %reduce_sum3A_107 : i32 to index
          %get3A_196 = arith.constant 48 : index
          %get3A_197 = tpu.vector_load %arg11[%get3A_195, %get3A_196] {strides = array<i32>} : memref<320x128xf32, #tpu.memory_space<vmem>>, vector<16xf32>,
          %min3A_198 = arith.minimumf %get3A_197, %get3A_180 : vector<16xf32>
          %swap3A_199 = arith.index_cast %reduce_sum3A_107 : i32 to index
          %swap3A_200 = arith.constant 48 : index
          %swap3A_201 = tpu.vector_load %arg11[%swap3A_199, %swap3A_200] {strides = array<i32>} : memref<320x128xf32, #tpu.memory_space<vmem>>, vector<16xf32>,
          tpu.vector_store %arg11[%swap3A_199, %swap3A_200], %min3A_198 {strides = array<i32>} : memref<320x128xf32, #tpu.memory_space<vmem>>, vector<16xf32>,
          %get3A_202 = arith.index_cast %while3A_91 : i32 to index
          %get3A_203 = arith.constant 64 : index
          %get3A_204 = tpu.vector_load %arg17[%get3A_202, %get3A_203] {strides = array<i32>} : memref<32x128xf32, #tpu.memory_space<vmem>>, vector<16xf32>,
          %get3A_205 = arith.index_cast %reduce_sum3A_107 : i32 to index
          %get3A_206 = arith.constant 64 : index
          %get3A_207 = tpu.vector_load %arg9[%get3A_205, %get3A_206] {strides = array<i32>} : memref<320x128xf32, #tpu.memory_space<vmem>>, vector<16xf32>,
          %add3A_208 = arith.addf %get3A_207, %get3A_204 : vector<16xf32>
          %swap3A_209 = arith.index_cast %reduce_sum3A_107 : i32 to index
          %swap3A_210 = arith.constant 64 : index
          %swap3A_211 = tpu.vector_load %arg9[%swap3A_209, %swap3A_210] {strides = array<i32>} : memref<320x128xf32, #tpu.memory_space<vmem>>, vector<16xf32>,
          tpu.vector_store %arg9[%swap3A_209, %swap3A_210], %add3A_208 {strides = array<i32>} : memref<320x128xf32, #tpu.memory_space<vmem>>, vector<16xf32>,
          %get3A_212 = arith.index_cast %reduce_sum3A_107 : i32 to index
          %get3A_213 = arith.constant 64 : index
          %get3A_214 = tpu.vector_load %arg10[%get3A_212, %get3A_213] {strides = array<i32>} : memref<320x128xf32, #tpu.memory_space<vmem>>, vector<16xf32>,
          %max3A_215 = arith.maximumf %get3A_214, %get3A_204 : vector<16xf32>
          %swap3A_216 = arith.index_cast %reduce_sum3A_107 : i32 to index
          %swap3A_217 = arith.constant 64 : index
          %swap3A_218 = tpu.vector_load %arg10[%swap3A_216, %swap3A_217] {strides = array<i32>} : memref<320x128xf32, #tpu.memory_space<vmem>>, vector<16xf32>,
          tpu.vector_store %arg10[%swap3A_216, %swap3A_217], %max3A_215 {strides = array<i32>} : memref<320x128xf32, #tpu.memory_space<vmem>>, vector<16xf32>,
          %get3A_219 = arith.index_cast %reduce_sum3A_107 : i32 to index
          %get3A_220 = arith.constant 64 : index
          %get3A_221 = tpu.vector_load %arg11[%get3A_219, %get3A_220] {strides = array<i32>} : memref<320x128xf32, #tpu.memory_space<vmem>>, vector<16xf32>,
          %min3A_222 = arith.minimumf %get3A_221, %get3A_204 : vector<16xf32>
          %swap3A_223 = arith.index_cast %reduce_sum3A_107 : i32 to index
          %swap3A_224 = arith.constant 64 : index
          %swap3A_225 = tpu.vector_load %arg11[%swap3A_223, %swap3A_224] {strides = array<i32>} : memref<320x128xf32, #tpu.memory_space<vmem>>, vector<16xf32>,
          tpu.vector_store %arg11[%swap3A_223, %swap3A_224], %min3A_222 {strides = array<i32>} : memref<320x128xf32, #tpu.memory_space<vmem>>, vector<16xf32>,
          %get3A_226 = arith.index_cast %while3A_91 : i32 to index
          %get3A_227 = arith.constant 80 : index
          %get3A_228 = tpu.vector_load %arg17[%get3A_226, %get3A_227] {strides = array<i32>} : memref<32x128xf32, #tpu.memory_space<vmem>>, vector<16xf32>,
          %get3A_229 = arith.index_cast %reduce_sum3A_107 : i32 to index
          %get3A_230 = arith.constant 80 : index
          %get3A_231 = tpu.vector_load %arg9[%get3A_229, %get3A_230] {strides = array<i32>} : memref<320x128xf32, #tpu.memory_space<vmem>>, vector<16xf32>,
          %add3A_232 = arith.addf %get3A_231, %get3A_228 : vector<16xf32>
          %swap3A_233 = arith.index_cast %reduce_sum3A_107 : i32 to index
          %swap3A_234 = arith.constant 80 : index
          %swap3A_235 = tpu.vector_load %arg9[%swap3A_233, %swap3A_234] {strides = array<i32>} : memref<320x128xf32, #tpu.memory_space<vmem>>, vector<16xf32>,
          tpu.vector_store %arg9[%swap3A_233, %swap3A_234], %add3A_232 {strides = array<i32>} : memref<320x128xf32, #tpu.memory_space<vmem>>, vector<16xf32>,
          %get3A_236 = arith.index_cast %reduce_sum3A_107 : i32 to index
          %get3A_237 = arith.constant 80 : index
          %get3A_238 = tpu.vector_load %arg10[%get3A_236, %get3A_237] {strides = array<i32>} : memref<320x128xf32, #tpu.memory_space<vmem>>, vector<16xf32>,
          %max3A_239 = arith.maximumf %get3A_238, %get3A_228 : vector<16xf32>
          %swap3A_240 = arith.index_cast %reduce_sum3A_107 : i32 to index
          %swap3A_241 = arith.constant 80 : index
          %swap3A_242 = tpu.vector_load %arg10[%swap3A_240, %swap3A_241] {strides = array<i32>} : memref<320x128xf32, #tpu.memory_space<vmem>>, vector<16xf32>,
          tpu.vector_store %arg10[%swap3A_240, %swap3A_241], %max3A_239 {strides = array<i32>} : memref<320x128xf32, #tpu.memory_space<vmem>>, vector<16xf32>,
          %get3A_243 = arith.index_cast %reduce_sum3A_107 : i32 to index
          %get3A_244 = arith.constant 80 : index
          %get3A_245 = tpu.vector_load %arg11[%get3A_243, %get3A_244] {strides = array<i32>} : memref<320x128xf32, #tpu.memory_space<vmem>>, vector<16xf32>,
          %min3A_246 = arith.minimumf %get3A_245, %get3A_228 : vector<16xf32>
          %swap3A_247 = arith.index_cast %reduce_sum3A_107 : i32 to index
          %swap3A_248 = arith.constant 80 : index
          %swap3A_249 = tpu.vector_load %arg11[%swap3A_247, %swap3A_248] {strides = array<i32>} : memref<320x128xf32, #tpu.memory_space<vmem>>, vector<16xf32>,
          tpu.vector_store %arg11[%swap3A_247, %swap3A_248], %min3A_246 {strides = array<i32>} : memref<320x128xf32, #tpu.memory_space<vmem>>, vector<16xf32>,
          %get3A_250 = arith.index_cast %while3A_91 : i32 to index
          %get3A_251 = arith.constant 96 : index
          %get3A_252 = tpu.vector_load %arg17[%get3A_250, %get3A_251] {strides = array<i32>} : memref<32x128xf32, #tpu.memory_space<vmem>>, vector<16xf32>,
          %get3A_253 = arith.index_cast %reduce_sum3A_107 : i32 to index
          %get3A_254 = arith.constant 96 : index
          %get3A_255 = tpu.vector_load %arg9[%get3A_253, %get3A_254] {strides = array<i32>} : memref<320x128xf32, #tpu.memory_space<vmem>>, vector<16xf32>,
          %add3A_256 = arith.addf %get3A_255, %get3A_252 : vector<16xf32>
          %swap3A_257 = arith.index_cast %reduce_sum3A_107 : i32 to index
          %swap3A_258 = arith.constant 96 : index
          %swap3A_259 = tpu.vector_load %arg9[%swap3A_257, %swap3A_258] {strides = array<i32>} : memref<320x128xf32, #tpu.memory_space<vmem>>, vector<16xf32>,
          tpu.vector_store %arg9[%swap3A_257, %swap3A_258], %add3A_256 {strides = array<i32>} : memref<320x128xf32, #tpu.memory_space<vmem>>, vector<16xf32>,
          %get3A_260 = arith.index_cast %reduce_sum3A_107 : i32 to index
          %get3A_261 = arith.constant 96 : index
          %get3A_262 = tpu.vector_load %arg10[%get3A_260, %get3A_261] {strides = array<i32>} : memref<320x128xf32, #tpu.memory_space<vmem>>, vector<16xf32>,
          %max3A_263 = arith.maximumf %get3A_262, %get3A_252 : vector<16xf32>
          %swap3A_264 = arith.index_cast %reduce_sum3A_107 : i32 to index
          %swap3A_265 = arith.constant 96 : index
          %swap3A_266 = tpu.vector_load %arg10[%swap3A_264, %swap3A_265] {strides = array<i32>} : memref<320x128xf32, #tpu.memory_space<vmem>>, vector<16xf32>,
          tpu.vector_store %arg10[%swap3A_264, %swap3A_265], %max3A_263 {strides = array<i32>} : memref<320x128xf32, #tpu.memory_space<vmem>>, vector<16xf32>,
          %get3A_267 = arith.index_cast %reduce_sum3A_107 : i32 to index
          %get3A_268 = arith.constant 96 : index
          %get3A_269 = tpu.vector_load %arg11[%get3A_267, %get3A_268] {strides = array<i32>} : memref<320x128xf32, #tpu.memory_space<vmem>>, vector<16xf32>,
          %min3A_270 = arith.minimumf %get3A_269, %get3A_252 : vector<16xf32>
          %swap3A_271 = arith.index_cast %reduce_sum3A_107 : i32 to index
          %swap3A_272 = arith.constant 96 : index
          %swap3A_273 = tpu.vector_load %arg11[%swap3A_271, %swap3A_272] {strides = array<i32>} : memref<320x128xf32, #tpu.memory_space<vmem>>, vector<16xf32>,
          tpu.vector_store %arg11[%swap3A_271, %swap3A_272], %min3A_270 {strides = array<i32>} : memref<320x128xf32, #tpu.memory_space<vmem>>, vector<16xf32>,
          %get3A_274 = arith.index_cast %while3A_91 : i32 to index
          %get3A_275 = arith.constant 112 : index
          %get3A_276 = tpu.vector_load %arg17[%get3A_274, %get3A_275] {strides = array<i32>} : memref<32x128xf32, #tpu.memory_space<vmem>>, vector<16xf32>,
          %get3A_277 = arith.index_cast %reduce_sum3A_107 : i32 to index
          %get3A_278 = arith.constant 112 : index
          %get3A_279 = tpu.vector_load %arg9[%get3A_277, %get3A_278] {strides = array<i32>} : memref<320x128xf32, #tpu.memory_space<vmem>>, vector<16xf32>,
          %add3A_280 = arith.addf %get3A_279, %get3A_276 : vector<16xf32>
          %swap3A_281 = arith.index_cast %reduce_sum3A_107 : i32 to index
          %swap3A_282 = arith.constant 112 : index
          %swap3A_283 = tpu.vector_load %arg9[%swap3A_281, %swap3A_282] {strides = array<i32>} : memref<320x128xf32, #tpu.memory_space<vmem>>, vector<16xf32>,
          tpu.vector_store %arg9[%swap3A_281, %swap3A_282], %add3A_280 {strides = array<i32>} : memref<320x128xf32, #tpu.memory_space<vmem>>, vector<16xf32>,
          %get3A_284 = arith.index_cast %reduce_sum3A_107 : i32 to index
          %get3A_285 = arith.constant 112 : index
          %get3A_286 = tpu.vector_load %arg10[%get3A_284, %get3A_285] {strides = array<i32>} : memref<320x128xf32, #tpu.memory_space<vmem>>, vector<16xf32>,
          %max3A_287 = arith.maximumf %get3A_286, %get3A_276 : vector<16xf32>
          %swap3A_288 = arith.index_cast %reduce_sum3A_107 : i32 to index
          %swap3A_289 = arith.constant 112 : index
          %swap3A_290 = tpu.vector_load %arg10[%swap3A_288, %swap3A_289] {strides = array<i32>} : memref<320x128xf32, #tpu.memory_space<vmem>>, vector<16xf32>,
          tpu.vector_store %arg10[%swap3A_288, %swap3A_289], %max3A_287 {strides = array<i32>} : memref<320x128xf32, #tpu.memory_space<vmem>>, vector<16xf32>,
          %get3A_291 = arith.index_cast %reduce_sum3A_107 : i32 to index
          %get3A_292 = arith.constant 112 : index
          %get3A_293 = tpu.vector_load %arg11[%get3A_291, %get3A_292] {strides = array<i32>} : memref<320x128xf32, #tpu.memory_space<vmem>>, vector<16xf32>,
          %min3A_294 = arith.minimumf %get3A_293, %get3A_276 : vector<16xf32>
          %swap3A_295 = arith.index_cast %reduce_sum3A_107 : i32 to index
          %swap3A_296 = arith.constant 112 : index
          %swap3A_297 = tpu.vector_load %arg11[%swap3A_295, %swap3A_296] {strides = array<i32>} : memref<320x128xf32, #tpu.memory_space<vmem>>, vector<16xf32>,
          tpu.vector_store %arg11[%swap3A_295, %swap3A_296], %min3A_294 {strides = array<i32>} : memref<320x128xf32, #tpu.memory_space<vmem>>, vector<16xf32>,
          %while3A_298 = arith.constant 0 : i32
          scf.yield %while3A_298 : i32
        }
        %while3A_88 = arith.constant 1 : i32
        %while3A_89 = scf.for %while3A_91 = %while3A_85 to %while3A_81 step %while3A_88 iter_args(%while3A_92 = %while3A_87) -> (i32)  : i32 {
          %mul3A_93 = arith.constant 32 : i32
          %mul3A_94 = arith.muli %while3A_70, %mul3A_93 : i32
          %add3A_95 = arith.addi %mul3A_94, %while3A_91 : i32
          %shift_right_arithmetic3A = arith.constant 4 : i32
          %shift_right_arithmetic3A_96 = arith.shrsi %add3A_95, %shift_right_arithmetic3A : i32
          %shift_left3A = arith.constant 4 : i32
          %shift_left3A_97 = arith.shli %shift_right_arithmetic3A_96, %shift_left3A : i32
          %and3A_98 = arith.constant 15 : i32
          %and3A_99 = arith.andi %add3A_95, %and3A_98 : i32
          %get3A = arith.index_cast %shift_left3A_97 : i32 to index
          %get3A_100 = tpu.vector_load %arg16[%get3A] {strides = array<i32>} : memref<656xi32, #tpu.memory_space<vmem>>, vector<16xi32>,
          %eq3A = vector.broadcast %and3A_99 : i32 to vector<16xi32>
          %eq3A_101 = arith.cmpi eq, %iota3A, %eq3A : vector<16xi32>
          %jit3A_102 = arith.constant 0 : i32
          %broadcast_in_dim3A_103 = vector.broadcast %jit3A_102 : i32 to vector<16xi32>
          %select_n3A_104 = arith.select %eq3A_101, %get3A_100, %broadcast_in_dim3A_103 : vector<16xi1>, vector<16xi32>
          %reduce_sum3A = arith.constant true
          %reduce_sum3A_105 = vector.broadcast %reduce_sum3A : i1 to vector<16xi1>
          %reduce_sum3A_106 = tpu.scan <sum>, %select_n3A_104 masked %reduce_sum3A_105 : vector<16xi32>, vector<16xi1> -> vector<16xi32>
          %reduce_sum3A_107 = vector.extract %reduce_sum3A_106[15] : i32 from vector<16xi32>
          %get3A_108 = arith.index_cast %while3A_91 : i32 to index
          %get3A_109 = arith.constant 0 : index
          %get3A_110 = tpu.vector_load %arg17[%get3A_108, %get3A_109] {strides = array<i32>} : memref<32x128xf32, #tpu.memory_space<vmem>>, vector<16xf32>,
          %get3A_111 = arith.index_cast %reduce_sum3A_107 : i32 to index
          %get3A_112 = arith.constant 0 : index
          %get3A_113 = tpu.vector_load %arg9[%get3A_111, %get3A_112] {strides = array<i32>} : memref<320x128xf32, #tpu.memory_space<vmem>>, vector<16xf32>,
          %add3A_114 = arith.addf %get3A_113, %get3A_110 : vector<16xf32>
          %swap3A = arith.index_cast %reduce_sum3A_107 : i32 to index
          %swap3A_115 = arith.constant 0 : index
          %swap3A_116 = tpu.vector_load %arg9[%swap3A, %swap3A_115] {strides = array<i32>} : memref<320x128xf32, #tpu.memory_space<vmem>>, vector<16xf32>,
          tpu.vector_store %arg9[%swap3A, %swap3A_115], %add3A_114 {strides = array<i32>} : memref<320x128xf32, #tpu.memory_space<vmem>>, vector<16xf32>,
          %get3A_117 = arith.index_cast %reduce_sum3A_107 : i32 to index
          %get3A_118 = arith.constant 0 : index
          %get3A_119 = tpu.vector_load %arg10[%get3A_117, %get3A_118] {strides = array<i32>} : memref<320x128xf32, #tpu.memory_space<vmem>>, vector<16xf32>,
          %max3A = arith.maximumf %get3A_119, %get3A_110 : vector<16xf32>
          %swap3A_120 = arith.index_cast %reduce_sum3A_107 : i32 to index
          %swap3A_121 = arith.constant 0 : index
          %swap3A_122 = tpu.vector_load %arg10[%swap3A_120, %swap3A_121] {strides = array<i32>} : memref<320x128xf32, #tpu.memory_space<vmem>>, vector<16xf32>,
          tpu.vector_store %arg10[%swap3A_120, %swap3A_121], %max3A {strides = array<i32>} : memref<320x128xf32, #tpu.memory_space<vmem>>, vector<16xf32>,
          %get3A_123 = arith.index_cast %reduce_sum3A_107 : i32 to index
          %get3A_124 = arith.constant 0 : index
          %get3A_125 = tpu.vector_load %arg11[%get3A_123, %get3A_124] {strides = array<i32>} : memref<320x128xf32, #tpu.memory_space<vmem>>, vector<16xf32>,
          %min3A_126 = arith.minimumf %get3A_125, %get3A_110 : vector<16xf32>
          %swap3A_127 = arith.index_cast %reduce_sum3A_107 : i32 to index
          %swap3A_128 = arith.constant 0 : index
          %swap3A_129 = tpu.vector_load %arg11[%swap3A_127, %swap3A_128] {strides = array<i32>} : memref<320x128xf32, #tpu.memory_space<vmem>>, vector<16xf32>,
          tpu.vector_store %arg11[%swap3A_127, %swap3A_128], %min3A_126 {strides = array<i32>} : memref<320x128xf32, #tpu.memory_space<vmem>>, vector<16xf32>,
          %get3A_130 = arith.index_cast %while3A_91 : i32 to index
          %get3A_131 = arith.constant 16 : index
          %get3A_132 = tpu.vector_load %arg17[%get3A_130, %get3A_131] {strides = array<i32>} : memref<32x128xf32, #tpu.memory_space<vmem>>, vector<16xf32>,
          %get3A_133 = arith.index_cast %reduce_sum3A_107 : i32 to index
          %get3A_134 = arith.constant 16 : index
          %get3A_135 = tpu.vector_load %arg9[%get3A_133, %get3A_134] {strides = array<i32>} : memref<320x128xf32, #tpu.memory_space<vmem>>, vector<16xf32>,
          %add3A_136 = arith.addf %get3A_135, %get3A_132 : vector<16xf32>
          %swap3A_137 = arith.index_cast %reduce_sum3A_107 : i32 to index
          %swap3A_138 = arith.constant 16 : index
          %swap3A_139 = tpu.vector_load %arg9[%swap3A_137, %swap3A_138] {strides = array<i32>} : memref<320x128xf32, #tpu.memory_space<vmem>>, vector<16xf32>,
          tpu.vector_store %arg9[%swap3A_137, %swap3A_138], %add3A_136 {strides = array<i32>} : memref<320x128xf32, #tpu.memory_space<vmem>>, vector<16xf32>,
          %get3A_140 = arith.index_cast %reduce_sum3A_107 : i32 to index
          %get3A_141 = arith.constant 16 : index
          %get3A_142 = tpu.vector_load %arg10[%get3A_140, %get3A_141] {strides = array<i32>} : memref<320x128xf32, #tpu.memory_space<vmem>>, vector<16xf32>,
          %max3A_143 = arith.maximumf %get3A_142, %get3A_132 : vector<16xf32>
          %swap3A_144 = arith.index_cast %reduce_sum3A_107 : i32 to index
          %swap3A_145 = arith.constant 16 : index
          %swap3A_146 = tpu.vector_load %arg10[%swap3A_144, %swap3A_145] {strides = array<i32>} : memref<320x128xf32, #tpu.memory_space<vmem>>, vector<16xf32>,
          tpu.vector_store %arg10[%swap3A_144, %swap3A_145], %max3A_143 {strides = array<i32>} : memref<320x128xf32, #tpu.memory_space<vmem>>, vector<16xf32>,
          %get3A_147 = arith.index_cast %reduce_sum3A_107 : i32 to index
          %get3A_148 = arith.constant 16 : index
          %get3A_149 = tpu.vector_load %arg11[%get3A_147, %get3A_148] {strides = array<i32>} : memref<320x128xf32, #tpu.memory_space<vmem>>, vector<16xf32>,
          %min3A_150 = arith.minimumf %get3A_149, %get3A_132 : vector<16xf32>
          %swap3A_151 = arith.index_cast %reduce_sum3A_107 : i32 to index
          %swap3A_152 = arith.constant 16 : index
          %swap3A_153 = tpu.vector_load %arg11[%swap3A_151, %swap3A_152] {strides = array<i32>} : memref<320x128xf32, #tpu.memory_space<vmem>>, vector<16xf32>,
          tpu.vector_store %arg11[%swap3A_151, %swap3A_152], %min3A_150 {strides = array<i32>} : memref<320x128xf32, #tpu.memory_space<vmem>>, vector<16xf32>,
          %get3A_154 = arith.index_cast %while3A_91 : i32 to index
          %get3A_155 = arith.constant 32 : index
          %get3A_156 = tpu.vector_load %arg17[%get3A_154, %get3A_155] {strides = array<i32>} : memref<32x128xf32, #tpu.memory_space<vmem>>, vector<16xf32>,
          %get3A_157 = arith.index_cast %reduce_sum3A_107 : i32 to index
          %get3A_158 = arith.constant 32 : index
          %get3A_159 = tpu.vector_load %arg9[%get3A_157, %get3A_158] {strides = array<i32>} : memref<320x128xf32, #tpu.memory_space<vmem>>, vector<16xf32>,
          %add3A_160 = arith.addf %get3A_159, %get3A_156 : vector<16xf32>
          %swap3A_161 = arith.index_cast %reduce_sum3A_107 : i32 to index
          %swap3A_162 = arith.constant 32 : index
          %swap3A_163 = tpu.vector_load %arg9[%swap3A_161, %swap3A_162] {strides = array<i32>} : memref<320x128xf32, #tpu.memory_space<vmem>>, vector<16xf32>,
          tpu.vector_store %arg9[%swap3A_161, %swap3A_162], %add3A_160 {strides = array<i32>} : memref<320x128xf32, #tpu.memory_space<vmem>>, vector<16xf32>,
          %get3A_164 = arith.index_cast %reduce_sum3A_107 : i32 to index
          %get3A_165 = arith.constant 32 : index
          %get3A_166 = tpu.vector_load %arg10[%get3A_164, %get3A_165] {strides = array<i32>} : memref<320x128xf32, #tpu.memory_space<vmem>>, vector<16xf32>,
          %max3A_167 = arith.maximumf %get3A_166, %get3A_156 : vector<16xf32>
          %swap3A_168 = arith.index_cast %reduce_sum3A_107 : i32 to index
          %swap3A_169 = arith.constant 32 : index
          %swap3A_170 = tpu.vector_load %arg10[%swap3A_168, %swap3A_169] {strides = array<i32>} : memref<320x128xf32, #tpu.memory_space<vmem>>, vector<16xf32>,
          tpu.vector_store %arg10[%swap3A_168, %swap3A_169], %max3A_167 {strides = array<i32>} : memref<320x128xf32, #tpu.memory_space<vmem>>, vector<16xf32>,
          %get3A_171 = arith.index_cast %reduce_sum3A_107 : i32 to index
          %get3A_172 = arith.constant 32 : index
          %get3A_173 = tpu.vector_load %arg11[%get3A_171, %get3A_172] {strides = array<i32>} : memref<320x128xf32, #tpu.memory_space<vmem>>, vector<16xf32>,
          %min3A_174 = arith.minimumf %get3A_173, %get3A_156 : vector<16xf32>
          %swap3A_175 = arith.index_cast %reduce_sum3A_107 : i32 to index
          %swap3A_176 = arith.constant 32 : index
          %swap3A_177 = tpu.vector_load %arg11[%swap3A_175, %swap3A_176] {strides = array<i32>} : memref<320x128xf32, #tpu.memory_space<vmem>>, vector<16xf32>,
          tpu.vector_store %arg11[%swap3A_175, %swap3A_176], %min3A_174 {strides = array<i32>} : memref<320x128xf32, #tpu.memory_space<vmem>>, vector<16xf32>,
          %get3A_178 = arith.index_cast %while3A_91 : i32 to index
          %get3A_179 = arith.constant 48 : index
          %get3A_180 = tpu.vector_load %arg17[%get3A_178, %get3A_179] {strides = array<i32>} : memref<32x128xf32, #tpu.memory_space<vmem>>, vector<16xf32>,
          %get3A_181 = arith.index_cast %reduce_sum3A_107 : i32 to index
          %get3A_182 = arith.constant 48 : index
          %get3A_183 = tpu.vector_load %arg9[%get3A_181, %get3A_182] {strides = array<i32>} : memref<320x128xf32, #tpu.memory_space<vmem>>, vector<16xf32>,
          %add3A_184 = arith.addf %get3A_183, %get3A_180 : vector<16xf32>
          %swap3A_185 = arith.index_cast %reduce_sum3A_107 : i32 to index
          %swap3A_186 = arith.constant 48 : index
          %swap3A_187 = tpu.vector_load %arg9[%swap3A_185, %swap3A_186] {strides = array<i32>} : memref<320x128xf32, #tpu.memory_space<vmem>>, vector<16xf32>,
          tpu.vector_store %arg9[%swap3A_185, %swap3A_186], %add3A_184 {strides = array<i32>} : memref<320x128xf32, #tpu.memory_space<vmem>>, vector<16xf32>,
          %get3A_188 = arith.index_cast %reduce_sum3A_107 : i32 to index
          %get3A_189 = arith.constant 48 : index
          %get3A_190 = tpu.vector_load %arg10[%get3A_188, %get3A_189] {strides = array<i32>} : memref<320x128xf32, #tpu.memory_space<vmem>>, vector<16xf32>,
          %max3A_191 = arith.maximumf %get3A_190, %get3A_180 : vector<16xf32>
          %swap3A_192 = arith.index_cast %reduce_sum3A_107 : i32 to index
          %swap3A_193 = arith.constant 48 : index
          %swap3A_194 = tpu.vector_load %arg10[%swap3A_192, %swap3A_193] {strides = array<i32>} : memref<320x128xf32, #tpu.memory_space<vmem>>, vector<16xf32>,
          tpu.vector_store %arg10[%swap3A_192, %swap3A_193], %max3A_191 {strides = array<i32>} : memref<320x128xf32, #tpu.memory_space<vmem>>, vector<16xf32>,
          %get3A_195 = arith.index_cast %reduce_sum3A_107 : i32 to index
          %get3A_196 = arith.constant 48 : index
          %get3A_197 = tpu.vector_load %arg11[%get3A_195, %get3A_196] {strides = array<i32>} : memref<320x128xf32, #tpu.memory_space<vmem>>, vector<16xf32>,
          %min3A_198 = arith.minimumf %get3A_197, %get3A_180 : vector<16xf32>
          %swap3A_199 = arith.index_cast %reduce_sum3A_107 : i32 to index
          %swap3A_200 = arith.constant 48 : index
          %swap3A_201 = tpu.vector_load %arg11[%swap3A_199, %swap3A_200] {strides = array<i32>} : memref<320x128xf32, #tpu.memory_space<vmem>>, vector<16xf32>,
          tpu.vector_store %arg11[%swap3A_199, %swap3A_200], %min3A_198 {strides = array<i32>} : memref<320x128xf32, #tpu.memory_space<vmem>>, vector<16xf32>,
          %get3A_202 = arith.index_cast %while3A_91 : i32 to index
          %get3A_203 = arith.constant 64 : index
          %get3A_204 = tpu.vector_load %arg17[%get3A_202, %get3A_203] {strides = array<i32>} : memref<32x128xf32, #tpu.memory_space<vmem>>, vector<16xf32>,
          %get3A_205 = arith.index_cast %reduce_sum3A_107 : i32 to index
          %get3A_206 = arith.constant 64 : index
          %get3A_207 = tpu.vector_load %arg9[%get3A_205, %get3A_206] {strides = array<i32>} : memref<320x128xf32, #tpu.memory_space<vmem>>, vector<16xf32>,
          %add3A_208 = arith.addf %get3A_207, %get3A_204 : vector<16xf32>
          %swap3A_209 = arith.index_cast %reduce_sum3A_107 : i32 to index
          %swap3A_210 = arith.constant 64 : index
          %swap3A_211 = tpu.vector_load %arg9[%swap3A_209, %swap3A_210] {strides = array<i32>} : memref<320x128xf32, #tpu.memory_space<vmem>>, vector<16xf32>,
          tpu.vector_store %arg9[%swap3A_209, %swap3A_210], %add3A_208 {strides = array<i32>} : memref<320x128xf32, #tpu.memory_space<vmem>>, vector<16xf32>,
          %get3A_212 = arith.index_cast %reduce_sum3A_107 : i32 to index
          %get3A_213 = arith.constant 64 : index
          %get3A_214 = tpu.vector_load %arg10[%get3A_212, %get3A_213] {strides = array<i32>} : memref<320x128xf32, #tpu.memory_space<vmem>>, vector<16xf32>,
          %max3A_215 = arith.maximumf %get3A_214, %get3A_204 : vector<16xf32>
          %swap3A_216 = arith.index_cast %reduce_sum3A_107 : i32 to index
          %swap3A_217 = arith.constant 64 : index
          %swap3A_218 = tpu.vector_load %arg10[%swap3A_216, %swap3A_217] {strides = array<i32>} : memref<320x128xf32, #tpu.memory_space<vmem>>, vector<16xf32>,
          tpu.vector_store %arg10[%swap3A_216, %swap3A_217], %max3A_215 {strides = array<i32>} : memref<320x128xf32, #tpu.memory_space<vmem>>, vector<16xf32>,
          %get3A_219 = arith.index_cast %reduce_sum3A_107 : i32 to index
          %get3A_220 = arith.constant 64 : index
          %get3A_221 = tpu.vector_load %arg11[%get3A_219, %get3A_220] {strides = array<i32>} : memref<320x128xf32, #tpu.memory_space<vmem>>, vector<16xf32>,
          %min3A_222 = arith.minimumf %get3A_221, %get3A_204 : vector<16xf32>
          %swap3A_223 = arith.index_cast %reduce_sum3A_107 : i32 to index
          %swap3A_224 = arith.constant 64 : index
          %swap3A_225 = tpu.vector_load %arg11[%swap3A_223, %swap3A_224] {strides = array<i32>} : memref<320x128xf32, #tpu.memory_space<vmem>>, vector<16xf32>,
          tpu.vector_store %arg11[%swap3A_223, %swap3A_224], %min3A_222 {strides = array<i32>} : memref<320x128xf32, #tpu.memory_space<vmem>>, vector<16xf32>,
          %get3A_226 = arith.index_cast %while3A_91 : i32 to index
          %get3A_227 = arith.constant 80 : index
          %get3A_228 = tpu.vector_load %arg17[%get3A_226, %get3A_227] {strides = array<i32>} : memref<32x128xf32, #tpu.memory_space<vmem>>, vector<16xf32>,
          %get3A_229 = arith.index_cast %reduce_sum3A_107 : i32 to index
          %get3A_230 = arith.constant 80 : index
          %get3A_231 = tpu.vector_load %arg9[%get3A_229, %get3A_230] {strides = array<i32>} : memref<320x128xf32, #tpu.memory_space<vmem>>, vector<16xf32>,
          %add3A_232 = arith.addf %get3A_231, %get3A_228 : vector<16xf32>
          %swap3A_233 = arith.index_cast %reduce_sum3A_107 : i32 to index
          %swap3A_234 = arith.constant 80 : index
          %swap3A_235 = tpu.vector_load %arg9[%swap3A_233, %swap3A_234] {strides = array<i32>} : memref<320x128xf32, #tpu.memory_space<vmem>>, vector<16xf32>,
          tpu.vector_store %arg9[%swap3A_233, %swap3A_234], %add3A_232 {strides = array<i32>} : memref<320x128xf32, #tpu.memory_space<vmem>>, vector<16xf32>,
          %get3A_236 = arith.index_cast %reduce_sum3A_107 : i32 to index
          %get3A_237 = arith.constant 80 : index
          %get3A_238 = tpu.vector_load %arg10[%get3A_236, %get3A_237] {strides = array<i32>} : memref<320x128xf32, #tpu.memory_space<vmem>>, vector<16xf32>,
          %max3A_239 = arith.maximumf %get3A_238, %get3A_228 : vector<16xf32>
          %swap3A_240 = arith.index_cast %reduce_sum3A_107 : i32 to index
          %swap3A_241 = arith.constant 80 : index
          %swap3A_242 = tpu.vector_load %arg10[%swap3A_240, %swap3A_241] {strides = array<i32>} : memref<320x128xf32, #tpu.memory_space<vmem>>, vector<16xf32>,
          tpu.vector_store %arg10[%swap3A_240, %swap3A_241], %max3A_239 {strides = array<i32>} : memref<320x128xf32, #tpu.memory_space<vmem>>, vector<16xf32>,
          %get3A_243 = arith.index_cast %reduce_sum3A_107 : i32 to index
          %get3A_244 = arith.constant 80 : index
          %get3A_245 = tpu.vector_load %arg11[%get3A_243, %get3A_244] {strides = array<i32>} : memref<320x128xf32, #tpu.memory_space<vmem>>, vector<16xf32>,
          %min3A_246 = arith.minimumf %get3A_245, %get3A_228 : vector<16xf32>
          %swap3A_247 = arith.index_cast %reduce_sum3A_107 : i32 to index
          %swap3A_248 = arith.constant 80 : index
          %swap3A_249 = tpu.vector_load %arg11[%swap3A_247, %swap3A_248] {strides = array<i32>} : memref<320x128xf32, #tpu.memory_space<vmem>>, vector<16xf32>,
          tpu.vector_store %arg11[%swap3A_247, %swap3A_248], %min3A_246 {strides = array<i32>} : memref<320x128xf32, #tpu.memory_space<vmem>>, vector<16xf32>,
          %get3A_250 = arith.index_cast %while3A_91 : i32 to index
          %get3A_251 = arith.constant 96 : index
          %get3A_252 = tpu.vector_load %arg17[%get3A_250, %get3A_251] {strides = array<i32>} : memref<32x128xf32, #tpu.memory_space<vmem>>, vector<16xf32>,
          %get3A_253 = arith.index_cast %reduce_sum3A_107 : i32 to index
          %get3A_254 = arith.constant 96 : index
          %get3A_255 = tpu.vector_load %arg9[%get3A_253, %get3A_254] {strides = array<i32>} : memref<320x128xf32, #tpu.memory_space<vmem>>, vector<16xf32>,
          %add3A_256 = arith.addf %get3A_255, %get3A_252 : vector<16xf32>
          %swap3A_257 = arith.index_cast %reduce_sum3A_107 : i32 to index
          %swap3A_258 = arith.constant 96 : index
          %swap3A_259 = tpu.vector_load %arg9[%swap3A_257, %swap3A_258] {strides = array<i32>} : memref<320x128xf32, #tpu.memory_space<vmem>>, vector<16xf32>,
          tpu.vector_store %arg9[%swap3A_257, %swap3A_258], %add3A_256 {strides = array<i32>} : memref<320x128xf32, #tpu.memory_space<vmem>>, vector<16xf32>,
          %get3A_260 = arith.index_cast %reduce_sum3A_107 : i32 to index
          %get3A_261 = arith.constant 96 : index
          %get3A_262 = tpu.vector_load %arg10[%get3A_260, %get3A_261] {strides = array<i32>} : memref<320x128xf32, #tpu.memory_space<vmem>>, vector<16xf32>,
          %max3A_263 = arith.maximumf %get3A_262, %get3A_252 : vector<16xf32>
          %swap3A_264 = arith.index_cast %reduce_sum3A_107 : i32 to index
          %swap3A_265 = arith.constant 96 : index
          %swap3A_266 = tpu.vector_load %arg10[%swap3A_264, %swap3A_265] {strides = array<i32>} : memref<320x128xf32, #tpu.memory_space<vmem>>, vector<16xf32>,
          tpu.vector_store %arg10[%swap3A_264, %swap3A_265], %max3A_263 {strides = array<i32>} : memref<320x128xf32, #tpu.memory_space<vmem>>, vector<16xf32>,
          %get3A_267 = arith.index_cast %reduce_sum3A_107 : i32 to index
          %get3A_268 = arith.constant 96 : index
          %get3A_269 = tpu.vector_load %arg11[%get3A_267, %get3A_268] {strides = array<i32>} : memref<320x128xf32, #tpu.memory_space<vmem>>, vector<16xf32>,
          %min3A_270 = arith.minimumf %get3A_269, %get3A_252 : vector<16xf32>
          %swap3A_271 = arith.index_cast %reduce_sum3A_107 : i32 to index
          %swap3A_272 = arith.constant 96 : index
          %swap3A_273 = tpu.vector_load %arg11[%swap3A_271, %swap3A_272] {strides = array<i32>} : memref<320x128xf32, #tpu.memory_space<vmem>>, vector<16xf32>,
          tpu.vector_store %arg11[%swap3A_271, %swap3A_272], %min3A_270 {strides = array<i32>} : memref<320x128xf32, #tpu.memory_space<vmem>>, vector<16xf32>,
          %get3A_274 = arith.index_cast %while3A_91 : i32 to index
          %get3A_275 = arith.constant 112 : index
          %get3A_276 = tpu.vector_load %arg17[%get3A_274, %get3A_275] {strides = array<i32>} : memref<32x128xf32, #tpu.memory_space<vmem>>, vector<16xf32>,
          %get3A_277 = arith.index_cast %reduce_sum3A_107 : i32 to index
          %get3A_278 = arith.constant 112 : index
          %get3A_279 = tpu.vector_load %arg9[%get3A_277, %get3A_278] {strides = array<i32>} : memref<320x128xf32, #tpu.memory_space<vmem>>, vector<16xf32>,
          %add3A_280 = arith.addf %get3A_279, %get3A_276 : vector<16xf32>
          %swap3A_281 = arith.index_cast %reduce_sum3A_107 : i32 to index
          %swap3A_282 = arith.constant 112 : index
          %swap3A_283 = tpu.vector_load %arg9[%swap3A_281, %swap3A_282] {strides = array<i32>} : memref<320x128xf32, #tpu.memory_space<vmem>>, vector<16xf32>,
          tpu.vector_store %arg9[%swap3A_281, %swap3A_282], %add3A_280 {strides = array<i32>} : memref<320x128xf32, #tpu.memory_space<vmem>>, vector<16xf32>,
          %get3A_284 = arith.index_cast %reduce_sum3A_107 : i32 to index
          %get3A_285 = arith.constant 112 : index
          %get3A_286 = tpu.vector_load %arg10[%get3A_284, %get3A_285] {strides = array<i32>} : memref<320x128xf32, #tpu.memory_space<vmem>>, vector<16xf32>,
          %max3A_287 = arith.maximumf %get3A_286, %get3A_276 : vector<16xf32>
          %swap3A_288 = arith.index_cast %reduce_sum3A_107 : i32 to index
          %swap3A_289 = arith.constant 112 : index
          %swap3A_290 = tpu.vector_load %arg10[%swap3A_288, %swap3A_289] {strides = array<i32>} : memref<320x128xf32, #tpu.memory_space<vmem>>, vector<16xf32>,
          tpu.vector_store %arg10[%swap3A_288, %swap3A_289], %max3A_287 {strides = array<i32>} : memref<320x128xf32, #tpu.memory_space<vmem>>, vector<16xf32>,
          %get3A_291 = arith.index_cast %reduce_sum3A_107 : i32 to index
          %get3A_292 = arith.constant 112 : index
          %get3A_293 = tpu.vector_load %arg11[%get3A_291, %get3A_292] {strides = array<i32>} : memref<320x128xf32, #tpu.memory_space<vmem>>, vector<16xf32>,
          %min3A_294 = arith.minimumf %get3A_293, %get3A_276 : vector<16xf32>
          %swap3A_295 = arith.index_cast %reduce_sum3A_107 : i32 to index
          %swap3A_296 = arith.constant 112 : index
          %swap3A_297 = tpu.vector_load %arg11[%swap3A_295, %swap3A_296] {strides = array<i32>} : memref<320x128xf32, #tpu.memory_space<vmem>>, vector<16xf32>,
          tpu.vector_store %arg11[%swap3A_295, %swap3A_296], %min3A_294 {strides = array<i32>} : memref<320x128xf32, #tpu.memory_space<vmem>>, vector<16xf32>,
          %while3A_298 = arith.constant 0 : i32
          scf.yield %while3A_298 : i32
        }
        %while3A_90 = arith.constant 0 : i32
        scf.yield %while3A_90 : i32
      }
      %while3A_68 = arith.constant 1 : i32
      %while3A_69 = scf.for %while3A_70 = %while3A_65 to %while3A_61 step %while3A_68 iter_args(%while3A_71 = %while3A_67) -> (i32)  : i32 {
        %mul3A_72 = arith.constant 32 : i32
        %mul3A_73 = arith.muli %while3A_70, %mul3A_72 : i32
        "tpu.region"() ({
          %run_scoped3A = tpu.sem_alloc : memref<!tpu.dma_semaphore, #tpu.memory_space<semaphore_mem>>
          %dma_start3A = tpu.memref_slice %arg15[%mul3A_73] : memref<656xi32, #tpu.memory_space<vmem>> -> memref<32xi32, #tpu.memory_space<vmem>>
          %dma_start3A_91 = arith.constant 0 : i32
          %dma_start3A_92 = arith.constant 0 : i32
          %dma_start3A_93 = tpu.memref_slice %arg4[%dma_start3A_91, %dma_start3A_92] : memref<10000x128xf32, #tpu.memory_space<hbm>> -> memref<10000x128xf32, #tpu.memory_space<hbm>>
          tpu.enqueue_indirect_dma source(%dma_start3A_93 : memref<10000x128xf32, #tpu.memory_space<hbm>>) target(%arg17 : memref<32x128xf32, #tpu.memory_space<vmem>>) offsets(%dma_start3A : memref<32xi32, #tpu.memory_space<vmem>>) semaphore(%run_scoped3A : memref<!tpu.dma_semaphore, #tpu.memory_space<semaphore_mem>>)
          %dma_wait3A = tpu.memref_slice %arg15[%mul3A_73] : memref<656xi32, #tpu.memory_space<vmem>> -> memref<32xi32, #tpu.memory_space<vmem>>
          %dma_wait3A_94 = arith.constant 0 : i32
          %dma_wait3A_95 = arith.constant 0 : i32
          %dma_wait3A_96 = tpu.memref_slice %arg4[%dma_wait3A_94, %dma_wait3A_95] : memref<10000x128xf32, #tpu.memory_space<hbm>> -> memref<10000x128xf32, #tpu.memory_space<hbm>>
          tpu.wait_indirect_dma semaphore(%run_scoped3A : memref<!tpu.dma_semaphore, #tpu.memory_space<semaphore_mem>>) src(%dma_wait3A_96 : memref<10000x128xf32, #tpu.memory_space<hbm>>) dst(%arg17 : memref<32x128xf32, #tpu.memory_space<vmem>>)
          tpu.yield
        }) : () -> ()
        %mul3A_74 = arith.constant 32 : i32
        %mul3A_75 = arith.muli %while3A_70, %mul3A_74 : i32
        %sub3A_76 = arith.subi %scan3A_37, %mul3A_75 : i32
        %min3A = arith.constant 32 : i32
        %min3A_77 = arith.minsi %sub3A_76, %min3A : i32
        %while3A_78 = arith.constant 0 : i32
        %while3A_79 = arith.constant 0 : i32
        %while3A_80 = arith.subi %min3A_77, %while3A_78 : i32
        %while3A_81 = arith.addi %while3A_78, %while3A_80 : i32
        %while3A_82 = arith.constant 1 : i32
        %while3A_83 = arith.divsi %while3A_80, %while3A_82 : i32
        %while3A_84 = arith.muli %while3A_83, %while3A_82 : i32
        %while3A_85 = arith.addi %while3A_78, %while3A_84 : i32
        %while3A_86 = arith.constant 1 : i32
        %while3A_87 = scf.for %while3A_91 = %while3A_78 to %while3A_85 step %while3A_86 iter_args(%while3A_92 = %while3A_79) -> (i32)  : i32 {
          %mul3A_93 = arith.constant 32 : i32
          %mul3A_94 = arith.muli %while3A_70, %mul3A_93 : i32
          %add3A_95 = arith.addi %mul3A_94, %while3A_91 : i32
          %shift_right_arithmetic3A = arith.constant 4 : i32
          %shift_right_arithmetic3A_96 = arith.shrsi %add3A_95, %shift_right_arithmetic3A : i32
          %shift_left3A = arith.constant 4 : i32
          %shift_left3A_97 = arith.shli %shift_right_arithmetic3A_96, %shift_left3A : i32
          %and3A_98 = arith.constant 15 : i32
          %and3A_99 = arith.andi %add3A_95, %and3A_98 : i32
          %get3A = arith.index_cast %shift_left3A_97 : i32 to index
          %get3A_100 = tpu.vector_load %arg16[%get3A] {strides = array<i32>} : memref<656xi32, #tpu.memory_space<vmem>>, vector<16xi32>,
          %eq3A = vector.broadcast %and3A_99 : i32 to vector<16xi32>
          %eq3A_101 = arith.cmpi eq, %iota3A, %eq3A : vector<16xi32>
          %jit3A_102 = arith.constant 0 : i32
          %broadcast_in_dim3A_103 = vector.broadcast %jit3A_102 : i32 to vector<16xi32>
          %select_n3A_104 = arith.select %eq3A_101, %get3A_100, %broadcast_in_dim3A_103 : vector<16xi1>, vector<16xi32>
          %reduce_sum3A = arith.constant true
          %reduce_sum3A_105 = vector.broadcast %reduce_sum3A : i1 to vector<16xi1>
          %reduce_sum3A_106 = tpu.scan <sum>, %select_n3A_104 masked %reduce_sum3A_105 : vector<16xi32>, vector<16xi1> -> vector<16xi32>
          %reduce_sum3A_107 = vector.extract %reduce_sum3A_106[15] : i32 from vector<16xi32>
          %get3A_108 = arith.index_cast %while3A_91 : i32 to index
          %get3A_109 = arith.constant 0 : index
          %get3A_110 = tpu.vector_load %arg17[%get3A_108, %get3A_109] {strides = array<i32>} : memref<32x128xf32, #tpu.memory_space<vmem>>, vector<16xf32>,
          %get3A_111 = arith.index_cast %reduce_sum3A_107 : i32 to index
          %get3A_112 = arith.constant 0 : index
          %get3A_113 = tpu.vector_load %arg9[%get3A_111, %get3A_112] {strides = array<i32>} : memref<320x128xf32, #tpu.memory_space<vmem>>, vector<16xf32>,
          %add3A_114 = arith.addf %get3A_113, %get3A_110 : vector<16xf32>
          %swap3A = arith.index_cast %reduce_sum3A_107 : i32 to index
          %swap3A_115 = arith.constant 0 : index
          %swap3A_116 = tpu.vector_load %arg9[%swap3A, %swap3A_115] {strides = array<i32>} : memref<320x128xf32, #tpu.memory_space<vmem>>, vector<16xf32>,
          tpu.vector_store %arg9[%swap3A, %swap3A_115], %add3A_114 {strides = array<i32>} : memref<320x128xf32, #tpu.memory_space<vmem>>, vector<16xf32>,
          %get3A_117 = arith.index_cast %reduce_sum3A_107 : i32 to index
          %get3A_118 = arith.constant 0 : index
          %get3A_119 = tpu.vector_load %arg10[%get3A_117, %get3A_118] {strides = array<i32>} : memref<320x128xf32, #tpu.memory_space<vmem>>, vector<16xf32>,
          %max3A = arith.maximumf %get3A_119, %get3A_110 : vector<16xf32>
          %swap3A_120 = arith.index_cast %reduce_sum3A_107 : i32 to index
          %swap3A_121 = arith.constant 0 : index
          %swap3A_122 = tpu.vector_load %arg10[%swap3A_120, %swap3A_121] {strides = array<i32>} : memref<320x128xf32, #tpu.memory_space<vmem>>, vector<16xf32>,
          tpu.vector_store %arg10[%swap3A_120, %swap3A_121], %max3A {strides = array<i32>} : memref<320x128xf32, #tpu.memory_space<vmem>>, vector<16xf32>,
          %get3A_123 = arith.index_cast %reduce_sum3A_107 : i32 to index
          %get3A_124 = arith.constant 0 : index
          %get3A_125 = tpu.vector_load %arg11[%get3A_123, %get3A_124] {strides = array<i32>} : memref<320x128xf32, #tpu.memory_space<vmem>>, vector<16xf32>,
          %min3A_126 = arith.minimumf %get3A_125, %get3A_110 : vector<16xf32>
          %swap3A_127 = arith.index_cast %reduce_sum3A_107 : i32 to index
          %swap3A_128 = arith.constant 0 : index
          %swap3A_129 = tpu.vector_load %arg11[%swap3A_127, %swap3A_128] {strides = array<i32>} : memref<320x128xf32, #tpu.memory_space<vmem>>, vector<16xf32>,
          tpu.vector_store %arg11[%swap3A_127, %swap3A_128], %min3A_126 {strides = array<i32>} : memref<320x128xf32, #tpu.memory_space<vmem>>, vector<16xf32>,
          %get3A_130 = arith.index_cast %while3A_91 : i32 to index
          %get3A_131 = arith.constant 16 : index
          %get3A_132 = tpu.vector_load %arg17[%get3A_130, %get3A_131] {strides = array<i32>} : memref<32x128xf32, #tpu.memory_space<vmem>>, vector<16xf32>,
          %get3A_133 = arith.index_cast %reduce_sum3A_107 : i32 to index
          %get3A_134 = arith.constant 16 : index
          %get3A_135 = tpu.vector_load %arg9[%get3A_133, %get3A_134] {strides = array<i32>} : memref<320x128xf32, #tpu.memory_space<vmem>>, vector<16xf32>,
          %add3A_136 = arith.addf %get3A_135, %get3A_132 : vector<16xf32>
          %swap3A_137 = arith.index_cast %reduce_sum3A_107 : i32 to index
          %swap3A_138 = arith.constant 16 : index
          %swap3A_139 = tpu.vector_load %arg9[%swap3A_137, %swap3A_138] {strides = array<i32>} : memref<320x128xf32, #tpu.memory_space<vmem>>, vector<16xf32>,
          tpu.vector_store %arg9[%swap3A_137, %swap3A_138], %add3A_136 {strides = array<i32>} : memref<320x128xf32, #tpu.memory_space<vmem>>, vector<16xf32>,
          %get3A_140 = arith.index_cast %reduce_sum3A_107 : i32 to index
          %get3A_141 = arith.constant 16 : index
          %get3A_142 = tpu.vector_load %arg10[%get3A_140, %get3A_141] {strides = array<i32>} : memref<320x128xf32, #tpu.memory_space<vmem>>, vector<16xf32>,
          %max3A_143 = arith.maximumf %get3A_142, %get3A_132 : vector<16xf32>
          %swap3A_144 = arith.index_cast %reduce_sum3A_107 : i32 to index
          %swap3A_145 = arith.constant 16 : index
          %swap3A_146 = tpu.vector_load %arg10[%swap3A_144, %swap3A_145] {strides = array<i32>} : memref<320x128xf32, #tpu.memory_space<vmem>>, vector<16xf32>,
          tpu.vector_store %arg10[%swap3A_144, %swap3A_145], %max3A_143 {strides = array<i32>} : memref<320x128xf32, #tpu.memory_space<vmem>>, vector<16xf32>,
          %get3A_147 = arith.index_cast %reduce_sum3A_107 : i32 to index
          %get3A_148 = arith.constant 16 : index
          %get3A_149 = tpu.vector_load %arg11[%get3A_147, %get3A_148] {strides = array<i32>} : memref<320x128xf32, #tpu.memory_space<vmem>>, vector<16xf32>,
          %min3A_150 = arith.minimumf %get3A_149, %get3A_132 : vector<16xf32>
          %swap3A_151 = arith.index_cast %reduce_sum3A_107 : i32 to index
          %swap3A_152 = arith.constant 16 : index
          %swap3A_153 = tpu.vector_load %arg11[%swap3A_151, %swap3A_152] {strides = array<i32>} : memref<320x128xf32, #tpu.memory_space<vmem>>, vector<16xf32>,
          tpu.vector_store %arg11[%swap3A_151, %swap3A_152], %min3A_150 {strides = array<i32>} : memref<320x128xf32, #tpu.memory_space<vmem>>, vector<16xf32>,
          %get3A_154 = arith.index_cast %while3A_91 : i32 to index
          %get3A_155 = arith.constant 32 : index
          %get3A_156 = tpu.vector_load %arg17[%get3A_154, %get3A_155] {strides = array<i32>} : memref<32x128xf32, #tpu.memory_space<vmem>>, vector<16xf32>,
          %get3A_157 = arith.index_cast %reduce_sum3A_107 : i32 to index
          %get3A_158 = arith.constant 32 : index
          %get3A_159 = tpu.vector_load %arg9[%get3A_157, %get3A_158] {strides = array<i32>} : memref<320x128xf32, #tpu.memory_space<vmem>>, vector<16xf32>,
          %add3A_160 = arith.addf %get3A_159, %get3A_156 : vector<16xf32>
          %swap3A_161 = arith.index_cast %reduce_sum3A_107 : i32 to index
          %swap3A_162 = arith.constant 32 : index
          %swap3A_163 = tpu.vector_load %arg9[%swap3A_161, %swap3A_162] {strides = array<i32>} : memref<320x128xf32, #tpu.memory_space<vmem>>, vector<16xf32>,
          tpu.vector_store %arg9[%swap3A_161, %swap3A_162], %add3A_160 {strides = array<i32>} : memref<320x128xf32, #tpu.memory_space<vmem>>, vector<16xf32>,
          %get3A_164 = arith.index_cast %reduce_sum3A_107 : i32 to index
          %get3A_165 = arith.constant 32 : index
          %get3A_166 = tpu.vector_load %arg10[%get3A_164, %get3A_165] {strides = array<i32>} : memref<320x128xf32, #tpu.memory_space<vmem>>, vector<16xf32>,
          %max3A_167 = arith.maximumf %get3A_166, %get3A_156 : vector<16xf32>
          %swap3A_168 = arith.index_cast %reduce_sum3A_107 : i32 to index
          %swap3A_169 = arith.constant 32 : index
          %swap3A_170 = tpu.vector_load %arg10[%swap3A_168, %swap3A_169] {strides = array<i32>} : memref<320x128xf32, #tpu.memory_space<vmem>>, vector<16xf32>,
          tpu.vector_store %arg10[%swap3A_168, %swap3A_169], %max3A_167 {strides = array<i32>} : memref<320x128xf32, #tpu.memory_space<vmem>>, vector<16xf32>,
          %get3A_171 = arith.index_cast %reduce_sum3A_107 : i32 to index
          %get3A_172 = arith.constant 32 : index
          %get3A_173 = tpu.vector_load %arg11[%get3A_171, %get3A_172] {strides = array<i32>} : memref<320x128xf32, #tpu.memory_space<vmem>>, vector<16xf32>,
          %min3A_174 = arith.minimumf %get3A_173, %get3A_156 : vector<16xf32>
          %swap3A_175 = arith.index_cast %reduce_sum3A_107 : i32 to index
          %swap3A_176 = arith.constant 32 : index
          %swap3A_177 = tpu.vector_load %arg11[%swap3A_175, %swap3A_176] {strides = array<i32>} : memref<320x128xf32, #tpu.memory_space<vmem>>, vector<16xf32>,
          tpu.vector_store %arg11[%swap3A_175, %swap3A_176], %min3A_174 {strides = array<i32>} : memref<320x128xf32, #tpu.memory_space<vmem>>, vector<16xf32>,
          %get3A_178 = arith.index_cast %while3A_91 : i32 to index
          %get3A_179 = arith.constant 48 : index
          %get3A_180 = tpu.vector_load %arg17[%get3A_178, %get3A_179] {strides = array<i32>} : memref<32x128xf32, #tpu.memory_space<vmem>>, vector<16xf32>,
          %get3A_181 = arith.index_cast %reduce_sum3A_107 : i32 to index
          %get3A_182 = arith.constant 48 : index
          %get3A_183 = tpu.vector_load %arg9[%get3A_181, %get3A_182] {strides = array<i32>} : memref<320x128xf32, #tpu.memory_space<vmem>>, vector<16xf32>,
          %add3A_184 = arith.addf %get3A_183, %get3A_180 : vector<16xf32>
          %swap3A_185 = arith.index_cast %reduce_sum3A_107 : i32 to index
          %swap3A_186 = arith.constant 48 : index
          %swap3A_187 = tpu.vector_load %arg9[%swap3A_185, %swap3A_186] {strides = array<i32>} : memref<320x128xf32, #tpu.memory_space<vmem>>, vector<16xf32>,
          tpu.vector_store %arg9[%swap3A_185, %swap3A_186], %add3A_184 {strides = array<i32>} : memref<320x128xf32, #tpu.memory_space<vmem>>, vector<16xf32>,
          %get3A_188 = arith.index_cast %reduce_sum3A_107 : i32 to index
          %get3A_189 = arith.constant 48 : index
          %get3A_190 = tpu.vector_load %arg10[%get3A_188, %get3A_189] {strides = array<i32>} : memref<320x128xf32, #tpu.memory_space<vmem>>, vector<16xf32>,
          %max3A_191 = arith.maximumf %get3A_190, %get3A_180 : vector<16xf32>
          %swap3A_192 = arith.index_cast %reduce_sum3A_107 : i32 to index
          %swap3A_193 = arith.constant 48 : index
          %swap3A_194 = tpu.vector_load %arg10[%swap3A_192, %swap3A_193] {strides = array<i32>} : memref<320x128xf32, #tpu.memory_space<vmem>>, vector<16xf32>,
          tpu.vector_store %arg10[%swap3A_192, %swap3A_193], %max3A_191 {strides = array<i32>} : memref<320x128xf32, #tpu.memory_space<vmem>>, vector<16xf32>,
          %get3A_195 = arith.index_cast %reduce_sum3A_107 : i32 to index
          %get3A_196 = arith.constant 48 : index
          %get3A_197 = tpu.vector_load %arg11[%get3A_195, %get3A_196] {strides = array<i32>} : memref<320x128xf32, #tpu.memory_space<vmem>>, vector<16xf32>,
          %min3A_198 = arith.minimumf %get3A_197, %get3A_180 : vector<16xf32>
          %swap3A_199 = arith.index_cast %reduce_sum3A_107 : i32 to index
          %swap3A_200 = arith.constant 48 : index
          %swap3A_201 = tpu.vector_load %arg11[%swap3A_199, %swap3A_200] {strides = array<i32>} : memref<320x128xf32, #tpu.memory_space<vmem>>, vector<16xf32>,
          tpu.vector_store %arg11[%swap3A_199, %swap3A_200], %min3A_198 {strides = array<i32>} : memref<320x128xf32, #tpu.memory_space<vmem>>, vector<16xf32>,
          %get3A_202 = arith.index_cast %while3A_91 : i32 to index
          %get3A_203 = arith.constant 64 : index
          %get3A_204 = tpu.vector_load %arg17[%get3A_202, %get3A_203] {strides = array<i32>} : memref<32x128xf32, #tpu.memory_space<vmem>>, vector<16xf32>,
          %get3A_205 = arith.index_cast %reduce_sum3A_107 : i32 to index
          %get3A_206 = arith.constant 64 : index
          %get3A_207 = tpu.vector_load %arg9[%get3A_205, %get3A_206] {strides = array<i32>} : memref<320x128xf32, #tpu.memory_space<vmem>>, vector<16xf32>,
          %add3A_208 = arith.addf %get3A_207, %get3A_204 : vector<16xf32>
          %swap3A_209 = arith.index_cast %reduce_sum3A_107 : i32 to index
          %swap3A_210 = arith.constant 64 : index
          %swap3A_211 = tpu.vector_load %arg9[%swap3A_209, %swap3A_210] {strides = array<i32>} : memref<320x128xf32, #tpu.memory_space<vmem>>, vector<16xf32>,
          tpu.vector_store %arg9[%swap3A_209, %swap3A_210], %add3A_208 {strides = array<i32>} : memref<320x128xf32, #tpu.memory_space<vmem>>, vector<16xf32>,
          %get3A_212 = arith.index_cast %reduce_sum3A_107 : i32 to index
          %get3A_213 = arith.constant 64 : index
          %get3A_214 = tpu.vector_load %arg10[%get3A_212, %get3A_213] {strides = array<i32>} : memref<320x128xf32, #tpu.memory_space<vmem>>, vector<16xf32>,
          %max3A_215 = arith.maximumf %get3A_214, %get3A_204 : vector<16xf32>
          %swap3A_216 = arith.index_cast %reduce_sum3A_107 : i32 to index
          %swap3A_217 = arith.constant 64 : index
          %swap3A_218 = tpu.vector_load %arg10[%swap3A_216, %swap3A_217] {strides = array<i32>} : memref<320x128xf32, #tpu.memory_space<vmem>>, vector<16xf32>,
          tpu.vector_store %arg10[%swap3A_216, %swap3A_217], %max3A_215 {strides = array<i32>} : memref<320x128xf32, #tpu.memory_space<vmem>>, vector<16xf32>,
          %get3A_219 = arith.index_cast %reduce_sum3A_107 : i32 to index
          %get3A_220 = arith.constant 64 : index
          %get3A_221 = tpu.vector_load %arg11[%get3A_219, %get3A_220] {strides = array<i32>} : memref<320x128xf32, #tpu.memory_space<vmem>>, vector<16xf32>,
          %min3A_222 = arith.minimumf %get3A_221, %get3A_204 : vector<16xf32>
          %swap3A_223 = arith.index_cast %reduce_sum3A_107 : i32 to index
          %swap3A_224 = arith.constant 64 : index
          %swap3A_225 = tpu.vector_load %arg11[%swap3A_223, %swap3A_224] {strides = array<i32>} : memref<320x128xf32, #tpu.memory_space<vmem>>, vector<16xf32>,
          tpu.vector_store %arg11[%swap3A_223, %swap3A_224], %min3A_222 {strides = array<i32>} : memref<320x128xf32, #tpu.memory_space<vmem>>, vector<16xf32>,
          %get3A_226 = arith.index_cast %while3A_91 : i32 to index
          %get3A_227 = arith.constant 80 : index
          %get3A_228 = tpu.vector_load %arg17[%get3A_226, %get3A_227] {strides = array<i32>} : memref<32x128xf32, #tpu.memory_space<vmem>>, vector<16xf32>,
          %get3A_229 = arith.index_cast %reduce_sum3A_107 : i32 to index
          %get3A_230 = arith.constant 80 : index
          %get3A_231 = tpu.vector_load %arg9[%get3A_229, %get3A_230] {strides = array<i32>} : memref<320x128xf32, #tpu.memory_space<vmem>>, vector<16xf32>,
          %add3A_232 = arith.addf %get3A_231, %get3A_228 : vector<16xf32>
          %swap3A_233 = arith.index_cast %reduce_sum3A_107 : i32 to index
          %swap3A_234 = arith.constant 80 : index
          %swap3A_235 = tpu.vector_load %arg9[%swap3A_233, %swap3A_234] {strides = array<i32>} : memref<320x128xf32, #tpu.memory_space<vmem>>, vector<16xf32>,
          tpu.vector_store %arg9[%swap3A_233, %swap3A_234], %add3A_232 {strides = array<i32>} : memref<320x128xf32, #tpu.memory_space<vmem>>, vector<16xf32>,
          %get3A_236 = arith.index_cast %reduce_sum3A_107 : i32 to index
          %get3A_237 = arith.constant 80 : index
          %get3A_238 = tpu.vector_load %arg10[%get3A_236, %get3A_237] {strides = array<i32>} : memref<320x128xf32, #tpu.memory_space<vmem>>, vector<16xf32>,
          %max3A_239 = arith.maximumf %get3A_238, %get3A_228 : vector<16xf32>
          %swap3A_240 = arith.index_cast %reduce_sum3A_107 : i32 to index
          %swap3A_241 = arith.constant 80 : index
          %swap3A_242 = tpu.vector_load %arg10[%swap3A_240, %swap3A_241] {strides = array<i32>} : memref<320x128xf32, #tpu.memory_space<vmem>>, vector<16xf32>,
          tpu.vector_store %arg10[%swap3A_240, %swap3A_241], %max3A_239 {strides = array<i32>} : memref<320x128xf32, #tpu.memory_space<vmem>>, vector<16xf32>,
          %get3A_243 = arith.index_cast %reduce_sum3A_107 : i32 to index
          %get3A_244 = arith.constant 80 : index
          %get3A_245 = tpu.vector_load %arg11[%get3A_243, %get3A_244] {strides = array<i32>} : memref<320x128xf32, #tpu.memory_space<vmem>>, vector<16xf32>,
          %min3A_246 = arith.minimumf %get3A_245, %get3A_228 : vector<16xf32>
          %swap3A_247 = arith.index_cast %reduce_sum3A_107 : i32 to index
          %swap3A_248 = arith.constant 80 : index
          %swap3A_249 = tpu.vector_load %arg11[%swap3A_247, %swap3A_248] {strides = array<i32>} : memref<320x128xf32, #tpu.memory_space<vmem>>, vector<16xf32>,
          tpu.vector_store %arg11[%swap3A_247, %swap3A_248], %min3A_246 {strides = array<i32>} : memref<320x128xf32, #tpu.memory_space<vmem>>, vector<16xf32>,
          %get3A_250 = arith.index_cast %while3A_91 : i32 to index
          %get3A_251 = arith.constant 96 : index
          %get3A_252 = tpu.vector_load %arg17[%get3A_250, %get3A_251] {strides = array<i32>} : memref<32x128xf32, #tpu.memory_space<vmem>>, vector<16xf32>,
          %get3A_253 = arith.index_cast %reduce_sum3A_107 : i32 to index
          %get3A_254 = arith.constant 96 : index
          %get3A_255 = tpu.vector_load %arg9[%get3A_253, %get3A_254] {strides = array<i32>} : memref<320x128xf32, #tpu.memory_space<vmem>>, vector<16xf32>,
          %add3A_256 = arith.addf %get3A_255, %get3A_252 : vector<16xf32>
          %swap3A_257 = arith.index_cast %reduce_sum3A_107 : i32 to index
          %swap3A_258 = arith.constant 96 : index
          %swap3A_259 = tpu.vector_load %arg9[%swap3A_257, %swap3A_258] {strides = array<i32>} : memref<320x128xf32, #tpu.memory_space<vmem>>, vector<16xf32>,
          tpu.vector_store %arg9[%swap3A_257, %swap3A_258], %add3A_256 {strides = array<i32>} : memref<320x128xf32, #tpu.memory_space<vmem>>, vector<16xf32>,
          %get3A_260 = arith.index_cast %reduce_sum3A_107 : i32 to index
          %get3A_261 = arith.constant 96 : index
          %get3A_262 = tpu.vector_load %arg10[%get3A_260, %get3A_261] {strides = array<i32>} : memref<320x128xf32, #tpu.memory_space<vmem>>, vector<16xf32>,
          %max3A_263 = arith.maximumf %get3A_262, %get3A_252 : vector<16xf32>
          %swap3A_264 = arith.index_cast %reduce_sum3A_107 : i32 to index
          %swap3A_265 = arith.constant 96 : index
          %swap3A_266 = tpu.vector_load %arg10[%swap3A_264, %swap3A_265] {strides = array<i32>} : memref<320x128xf32, #tpu.memory_space<vmem>>, vector<16xf32>,
          tpu.vector_store %arg10[%swap3A_264, %swap3A_265], %max3A_263 {strides = array<i32>} : memref<320x128xf32, #tpu.memory_space<vmem>>, vector<16xf32>,
          %get3A_267 = arith.index_cast %reduce_sum3A_107 : i32 to index
          %get3A_268 = arith.constant 96 : index
          %get3A_269 = tpu.vector_load %arg11[%get3A_267, %get3A_268] {strides = array<i32>} : memref<320x128xf32, #tpu.memory_space<vmem>>, vector<16xf32>,
          %min3A_270 = arith.minimumf %get3A_269, %get3A_252 : vector<16xf32>
          %swap3A_271 = arith.index_cast %reduce_sum3A_107 : i32 to index
          %swap3A_272 = arith.constant 96 : index
          %swap3A_273 = tpu.vector_load %arg11[%swap3A_271, %swap3A_272] {strides = array<i32>} : memref<320x128xf32, #tpu.memory_space<vmem>>, vector<16xf32>,
          tpu.vector_store %arg11[%swap3A_271, %swap3A_272], %min3A_270 {strides = array<i32>} : memref<320x128xf32, #tpu.memory_space<vmem>>, vector<16xf32>,
          %get3A_274 = arith.index_cast %while3A_91 : i32 to index
          %get3A_275 = arith.constant 112 : index
          %get3A_276 = tpu.vector_load %arg17[%get3A_274, %get3A_275] {strides = array<i32>} : memref<32x128xf32, #tpu.memory_space<vmem>>, vector<16xf32>,
          %get3A_277 = arith.index_cast %reduce_sum3A_107 : i32 to index
          %get3A_278 = arith.constant 112 : index
          %get3A_279 = tpu.vector_load %arg9[%get3A_277, %get3A_278] {strides = array<i32>} : memref<320x128xf32, #tpu.memory_space<vmem>>, vector<16xf32>,
          %add3A_280 = arith.addf %get3A_279, %get3A_276 : vector<16xf32>
          %swap3A_281 = arith.index_cast %reduce_sum3A_107 : i32 to index
          %swap3A_282 = arith.constant 112 : index
          %swap3A_283 = tpu.vector_load %arg9[%swap3A_281, %swap3A_282] {strides = array<i32>} : memref<320x128xf32, #tpu.memory_space<vmem>>, vector<16xf32>,
          tpu.vector_store %arg9[%swap3A_281, %swap3A_282], %add3A_280 {strides = array<i32>} : memref<320x128xf32, #tpu.memory_space<vmem>>, vector<16xf32>,
          %get3A_284 = arith.index_cast %reduce_sum3A_107 : i32 to index
          %get3A_285 = arith.constant 112 : index
          %get3A_286 = tpu.vector_load %arg10[%get3A_284, %get3A_285] {strides = array<i32>} : memref<320x128xf32, #tpu.memory_space<vmem>>, vector<16xf32>,
          %max3A_287 = arith.maximumf %get3A_286, %get3A_276 : vector<16xf32>
          %swap3A_288 = arith.index_cast %reduce_sum3A_107 : i32 to index
          %swap3A_289 = arith.constant 112 : index
          %swap3A_290 = tpu.vector_load %arg10[%swap3A_288, %swap3A_289] {strides = array<i32>} : memref<320x128xf32, #tpu.memory_space<vmem>>, vector<16xf32>,
          tpu.vector_store %arg10[%swap3A_288, %swap3A_289], %max3A_287 {strides = array<i32>} : memref<320x128xf32, #tpu.memory_space<vmem>>, vector<16xf32>,
          %get3A_291 = arith.index_cast %reduce_sum3A_107 : i32 to index
          %get3A_292 = arith.constant 112 : index
          %get3A_293 = tpu.vector_load %arg11[%get3A_291, %get3A_292] {strides = array<i32>} : memref<320x128xf32, #tpu.memory_space<vmem>>, vector<16xf32>,
          %min3A_294 = arith.minimumf %get3A_293, %get3A_276 : vector<16xf32>
          %swap3A_295 = arith.index_cast %reduce_sum3A_107 : i32 to index
          %swap3A_296 = arith.constant 112 : index
          %swap3A_297 = tpu.vector_load %arg11[%swap3A_295, %swap3A_296] {strides = array<i32>} : memref<320x128xf32, #tpu.memory_space<vmem>>, vector<16xf32>,
          tpu.vector_store %arg11[%swap3A_295, %swap3A_296], %min3A_294 {strides = array<i32>} : memref<320x128xf32, #tpu.memory_space<vmem>>, vector<16xf32>,
          %while3A_298 = arith.constant 0 : i32
          scf.yield %while3A_298 : i32
        }
        %while3A_88 = arith.constant 1 : i32
        %while3A_89 = scf.for %while3A_91 = %while3A_85 to %while3A_81 step %while3A_88 iter_args(%while3A_92 = %while3A_87) -> (i32)  : i32 {
          %mul3A_93 = arith.constant 32 : i32
          %mul3A_94 = arith.muli %while3A_70, %mul3A_93 : i32
          %add3A_95 = arith.addi %mul3A_94, %while3A_91 : i32
          %shift_right_arithmetic3A = arith.constant 4 : i32
          %shift_right_arithmetic3A_96 = arith.shrsi %add3A_95, %shift_right_arithmetic3A : i32
          %shift_left3A = arith.constant 4 : i32
          %shift_left3A_97 = arith.shli %shift_right_arithmetic3A_96, %shift_left3A : i32
          %and3A_98 = arith.constant 15 : i32
          %and3A_99 = arith.andi %add3A_95, %and3A_98 : i32
          %get3A = arith.index_cast %shift_left3A_97 : i32 to index
          %get3A_100 = tpu.vector_load %arg16[%get3A] {strides = array<i32>} : memref<656xi32, #tpu.memory_space<vmem>>, vector<16xi32>,
          %eq3A = vector.broadcast %and3A_99 : i32 to vector<16xi32>
          %eq3A_101 = arith.cmpi eq, %iota3A, %eq3A : vector<16xi32>
          %jit3A_102 = arith.constant 0 : i32
          %broadcast_in_dim3A_103 = vector.broadcast %jit3A_102 : i32 to vector<16xi32>
          %select_n3A_104 = arith.select %eq3A_101, %get3A_100, %broadcast_in_dim3A_103 : vector<16xi1>, vector<16xi32>
          %reduce_sum3A = arith.constant true
          %reduce_sum3A_105 = vector.broadcast %reduce_sum3A : i1 to vector<16xi1>
          %reduce_sum3A_106 = tpu.scan <sum>, %select_n3A_104 masked %reduce_sum3A_105 : vector<16xi32>, vector<16xi1> -> vector<16xi32>
          %reduce_sum3A_107 = vector.extract %reduce_sum3A_106[15] : i32 from vector<16xi32>
          %get3A_108 = arith.index_cast %while3A_91 : i32 to index
          %get3A_109 = arith.constant 0 : index
          %get3A_110 = tpu.vector_load %arg17[%get3A_108, %get3A_109] {strides = array<i32>} : memref<32x128xf32, #tpu.memory_space<vmem>>, vector<16xf32>,
          %get3A_111 = arith.index_cast %reduce_sum3A_107 : i32 to index
          %get3A_112 = arith.constant 0 : index
          %get3A_113 = tpu.vector_load %arg9[%get3A_111, %get3A_112] {strides = array<i32>} : memref<320x128xf32, #tpu.memory_space<vmem>>, vector<16xf32>,
          %add3A_114 = arith.addf %get3A_113, %get3A_110 : vector<16xf32>
          %swap3A = arith.index_cast %reduce_sum3A_107 : i32 to index
          %swap3A_115 = arith.constant 0 : index
          %swap3A_116 = tpu.vector_load %arg9[%swap3A, %swap3A_115] {strides = array<i32>} : memref<320x128xf32, #tpu.memory_space<vmem>>, vector<16xf32>,
          tpu.vector_store %arg9[%swap3A, %swap3A_115], %add3A_114 {strides = array<i32>} : memref<320x128xf32, #tpu.memory_space<vmem>>, vector<16xf32>,
          %get3A_117 = arith.index_cast %reduce_sum3A_107 : i32 to index
          %get3A_118 = arith.constant 0 : index
          %get3A_119 = tpu.vector_load %arg10[%get3A_117, %get3A_118] {strides = array<i32>} : memref<320x128xf32, #tpu.memory_space<vmem>>, vector<16xf32>,
          %max3A = arith.maximumf %get3A_119, %get3A_110 : vector<16xf32>
          %swap3A_120 = arith.index_cast %reduce_sum3A_107 : i32 to index
          %swap3A_121 = arith.constant 0 : index
          %swap3A_122 = tpu.vector_load %arg10[%swap3A_120, %swap3A_121] {strides = array<i32>} : memref<320x128xf32, #tpu.memory_space<vmem>>, vector<16xf32>,
          tpu.vector_store %arg10[%swap3A_120, %swap3A_121], %max3A {strides = array<i32>} : memref<320x128xf32, #tpu.memory_space<vmem>>, vector<16xf32>,
          %get3A_123 = arith.index_cast %reduce_sum3A_107 : i32 to index
          %get3A_124 = arith.constant 0 : index
          %get3A_125 = tpu.vector_load %arg11[%get3A_123, %get3A_124] {strides = array<i32>} : memref<320x128xf32, #tpu.memory_space<vmem>>, vector<16xf32>,
          %min3A_126 = arith.minimumf %get3A_125, %get3A_110 : vector<16xf32>
          %swap3A_127 = arith.index_cast %reduce_sum3A_107 : i32 to index
          %swap3A_128 = arith.constant 0 : index
          %swap3A_129 = tpu.vector_load %arg11[%swap3A_127, %swap3A_128] {strides = array<i32>} : memref<320x128xf32, #tpu.memory_space<vmem>>, vector<16xf32>,
          tpu.vector_store %arg11[%swap3A_127, %swap3A_128], %min3A_126 {strides = array<i32>} : memref<320x128xf32, #tpu.memory_space<vmem>>, vector<16xf32>,
          %get3A_130 = arith.index_cast %while3A_91 : i32 to index
          %get3A_131 = arith.constant 16 : index
          %get3A_132 = tpu.vector_load %arg17[%get3A_130, %get3A_131] {strides = array<i32>} : memref<32x128xf32, #tpu.memory_space<vmem>>, vector<16xf32>,
          %get3A_133 = arith.index_cast %reduce_sum3A_107 : i32 to index
          %get3A_134 = arith.constant 16 : index
          %get3A_135 = tpu.vector_load %arg9[%get3A_133, %get3A_134] {strides = array<i32>} : memref<320x128xf32, #tpu.memory_space<vmem>>, vector<16xf32>,
          %add3A_136 = arith.addf %get3A_135, %get3A_132 : vector<16xf32>
          %swap3A_137 = arith.index_cast %reduce_sum3A_107 : i32 to index
          %swap3A_138 = arith.constant 16 : index
          %swap3A_139 = tpu.vector_load %arg9[%swap3A_137, %swap3A_138] {strides = array<i32>} : memref<320x128xf32, #tpu.memory_space<vmem>>, vector<16xf32>,
          tpu.vector_store %arg9[%swap3A_137, %swap3A_138], %add3A_136 {strides = array<i32>} : memref<320x128xf32, #tpu.memory_space<vmem>>, vector<16xf32>,
          %get3A_140 = arith.index_cast %reduce_sum3A_107 : i32 to index
          %get3A_141 = arith.constant 16 : index
          %get3A_142 = tpu.vector_load %arg10[%get3A_140, %get3A_141] {strides = array<i32>} : memref<320x128xf32, #tpu.memory_space<vmem>>, vector<16xf32>,
          %max3A_143 = arith.maximumf %get3A_142, %get3A_132 : vector<16xf32>
          %swap3A_144 = arith.index_cast %reduce_sum3A_107 : i32 to index
          %swap3A_145 = arith.constant 16 : index
          %swap3A_146 = tpu.vector_load %arg10[%swap3A_144, %swap3A_145] {strides = array<i32>} : memref<320x128xf32, #tpu.memory_space<vmem>>, vector<16xf32>,
          tpu.vector_store %arg10[%swap3A_144, %swap3A_145], %max3A_143 {strides = array<i32>} : memref<320x128xf32, #tpu.memory_space<vmem>>, vector<16xf32>,
          %get3A_147 = arith.index_cast %reduce_sum3A_107 : i32 to index
          %get3A_148 = arith.constant 16 : index
          %get3A_149 = tpu.vector_load %arg11[%get3A_147, %get3A_148] {strides = array<i32>} : memref<320x128xf32, #tpu.memory_space<vmem>>, vector<16xf32>,
          %min3A_150 = arith.minimumf %get3A_149, %get3A_132 : vector<16xf32>
          %swap3A_151 = arith.index_cast %reduce_sum3A_107 : i32 to index
          %swap3A_152 = arith.constant 16 : index
          %swap3A_153 = tpu.vector_load %arg11[%swap3A_151, %swap3A_152] {strides = array<i32>} : memref<320x128xf32, #tpu.memory_space<vmem>>, vector<16xf32>,
          tpu.vector_store %arg11[%swap3A_151, %swap3A_152], %min3A_150 {strides = array<i32>} : memref<320x128xf32, #tpu.memory_space<vmem>>, vector<16xf32>,
          %get3A_154 = arith.index_cast %while3A_91 : i32 to index
          %get3A_155 = arith.constant 32 : index
          %get3A_156 = tpu.vector_load %arg17[%get3A_154, %get3A_155] {strides = array<i32>} : memref<32x128xf32, #tpu.memory_space<vmem>>, vector<16xf32>,
          %get3A_157 = arith.index_cast %reduce_sum3A_107 : i32 to index
          %get3A_158 = arith.constant 32 : index
          %get3A_159 = tpu.vector_load %arg9[%get3A_157, %get3A_158] {strides = array<i32>} : memref<320x128xf32, #tpu.memory_space<vmem>>, vector<16xf32>,
          %add3A_160 = arith.addf %get3A_159, %get3A_156 : vector<16xf32>
          %swap3A_161 = arith.index_cast %reduce_sum3A_107 : i32 to index
          %swap3A_162 = arith.constant 32 : index
          %swap3A_163 = tpu.vector_load %arg9[%swap3A_161, %swap3A_162] {strides = array<i32>} : memref<320x128xf32, #tpu.memory_space<vmem>>, vector<16xf32>,
          tpu.vector_store %arg9[%swap3A_161, %swap3A_162], %add3A_160 {strides = array<i32>} : memref<320x128xf32, #tpu.memory_space<vmem>>, vector<16xf32>,
          %get3A_164 = arith.index_cast %reduce_sum3A_107 : i32 to index
          %get3A_165 = arith.constant 32 : index
          %get3A_166 = tpu.vector_load %arg10[%get3A_164, %get3A_165] {strides = array<i32>} : memref<320x128xf32, #tpu.memory_space<vmem>>, vector<16xf32>,
          %max3A_167 = arith.maximumf %get3A_166, %get3A_156 : vector<16xf32>
          %swap3A_168 = arith.index_cast %reduce_sum3A_107 : i32 to index
          %swap3A_169 = arith.constant 32 : index
          %swap3A_170 = tpu.vector_load %arg10[%swap3A_168, %swap3A_169] {strides = array<i32>} : memref<320x128xf32, #tpu.memory_space<vmem>>, vector<16xf32>,
          tpu.vector_store %arg10[%swap3A_168, %swap3A_169], %max3A_167 {strides = array<i32>} : memref<320x128xf32, #tpu.memory_space<vmem>>, vector<16xf32>,
          %get3A_171 = arith.index_cast %reduce_sum3A_107 : i32 to index
          %get3A_172 = arith.constant 32 : index
          %get3A_173 = tpu.vector_load %arg11[%get3A_171, %get3A_172] {strides = array<i32>} : memref<320x128xf32, #tpu.memory_space<vmem>>, vector<16xf32>,
          %min3A_174 = arith.minimumf %get3A_173, %get3A_156 : vector<16xf32>
          %swap3A_175 = arith.index_cast %reduce_sum3A_107 : i32 to index
          %swap3A_176 = arith.constant 32 : index
          %swap3A_177 = tpu.vector_load %arg11[%swap3A_175, %swap3A_176] {strides = array<i32>} : memref<320x128xf32, #tpu.memory_space<vmem>>, vector<16xf32>,
          tpu.vector_store %arg11[%swap3A_175, %swap3A_176], %min3A_174 {strides = array<i32>} : memref<320x128xf32, #tpu.memory_space<vmem>>, vector<16xf32>,
          %get3A_178 = arith.index_cast %while3A_91 : i32 to index
          %get3A_179 = arith.constant 48 : index
          %get3A_180 = tpu.vector_load %arg17[%get3A_178, %get3A_179] {strides = array<i32>} : memref<32x128xf32, #tpu.memory_space<vmem>>, vector<16xf32>,
          %get3A_181 = arith.index_cast %reduce_sum3A_107 : i32 to index
          %get3A_182 = arith.constant 48 : index
          %get3A_183 = tpu.vector_load %arg9[%get3A_181, %get3A_182] {strides = array<i32>} : memref<320x128xf32, #tpu.memory_space<vmem>>, vector<16xf32>,
          %add3A_184 = arith.addf %get3A_183, %get3A_180 : vector<16xf32>
          %swap3A_185 = arith.index_cast %reduce_sum3A_107 : i32 to index
          %swap3A_186 = arith.constant 48 : index
          %swap3A_187 = tpu.vector_load %arg9[%swap3A_185, %swap3A_186] {strides = array<i32>} : memref<320x128xf32, #tpu.memory_space<vmem>>, vector<16xf32>,
          tpu.vector_store %arg9[%swap3A_185, %swap3A_186], %add3A_184 {strides = array<i32>} : memref<320x128xf32, #tpu.memory_space<vmem>>, vector<16xf32>,
          %get3A_188 = arith.index_cast %reduce_sum3A_107 : i32 to index
          %get3A_189 = arith.constant 48 : index
          %get3A_190 = tpu.vector_load %arg10[%get3A_188, %get3A_189] {strides = array<i32>} : memref<320x128xf32, #tpu.memory_space<vmem>>, vector<16xf32>,
          %max3A_191 = arith.maximumf %get3A_190, %get3A_180 : vector<16xf32>
          %swap3A_192 = arith.index_cast %reduce_sum3A_107 : i32 to index
          %swap3A_193 = arith.constant 48 : index
          %swap3A_194 = tpu.vector_load %arg10[%swap3A_192, %swap3A_193] {strides = array<i32>} : memref<320x128xf32, #tpu.memory_space<vmem>>, vector<16xf32>,
          tpu.vector_store %arg10[%swap3A_192, %swap3A_193], %max3A_191 {strides = array<i32>} : memref<320x128xf32, #tpu.memory_space<vmem>>, vector<16xf32>,
          %get3A_195 = arith.index_cast %reduce_sum3A_107 : i32 to index
          %get3A_196 = arith.constant 48 : index
          %get3A_197 = tpu.vector_load %arg11[%get3A_195, %get3A_196] {strides = array<i32>} : memref<320x128xf32, #tpu.memory_space<vmem>>, vector<16xf32>,
          %min3A_198 = arith.minimumf %get3A_197, %get3A_180 : vector<16xf32>
          %swap3A_199 = arith.index_cast %reduce_sum3A_107 : i32 to index
          %swap3A_200 = arith.constant 48 : index
          %swap3A_201 = tpu.vector_load %arg11[%swap3A_199, %swap3A_200] {strides = array<i32>} : memref<320x128xf32, #tpu.memory_space<vmem>>, vector<16xf32>,
          tpu.vector_store %arg11[%swap3A_199, %swap3A_200], %min3A_198 {strides = array<i32>} : memref<320x128xf32, #tpu.memory_space<vmem>>, vector<16xf32>,
          %get3A_202 = arith.index_cast %while3A_91 : i32 to index
          %get3A_203 = arith.constant 64 : index
          %get3A_204 = tpu.vector_load %arg17[%get3A_202, %get3A_203] {strides = array<i32>} : memref<32x128xf32, #tpu.memory_space<vmem>>, vector<16xf32>,
          %get3A_205 = arith.index_cast %reduce_sum3A_107 : i32 to index
          %get3A_206 = arith.constant 64 : index
          %get3A_207 = tpu.vector_load %arg9[%get3A_205, %get3A_206] {strides = array<i32>} : memref<320x128xf32, #tpu.memory_space<vmem>>, vector<16xf32>,
          %add3A_208 = arith.addf %get3A_207, %get3A_204 : vector<16xf32>
          %swap3A_209 = arith.index_cast %reduce_sum3A_107 : i32 to index
          %swap3A_210 = arith.constant 64 : index
          %swap3A_211 = tpu.vector_load %arg9[%swap3A_209, %swap3A_210] {strides = array<i32>} : memref<320x128xf32, #tpu.memory_space<vmem>>, vector<16xf32>,
          tpu.vector_store %arg9[%swap3A_209, %swap3A_210], %add3A_208 {strides = array<i32>} : memref<320x128xf32, #tpu.memory_space<vmem>>, vector<16xf32>,
          %get3A_212 = arith.index_cast %reduce_sum3A_107 : i32 to index
          %get3A_213 = arith.constant 64 : index
          %get3A_214 = tpu.vector_load %arg10[%get3A_212, %get3A_213] {strides = array<i32>} : memref<320x128xf32, #tpu.memory_space<vmem>>, vector<16xf32>,
          %max3A_215 = arith.maximumf %get3A_214, %get3A_204 : vector<16xf32>
          %swap3A_216 = arith.index_cast %reduce_sum3A_107 : i32 to index
          %swap3A_217 = arith.constant 64 : index
          %swap3A_218 = tpu.vector_load %arg10[%swap3A_216, %swap3A_217] {strides = array<i32>} : memref<320x128xf32, #tpu.memory_space<vmem>>, vector<16xf32>,
          tpu.vector_store %arg10[%swap3A_216, %swap3A_217], %max3A_215 {strides = array<i32>} : memref<320x128xf32, #tpu.memory_space<vmem>>, vector<16xf32>,
          %get3A_219 = arith.index_cast %reduce_sum3A_107 : i32 to index
          %get3A_220 = arith.constant 64 : index
          %get3A_221 = tpu.vector_load %arg11[%get3A_219, %get3A_220] {strides = array<i32>} : memref<320x128xf32, #tpu.memory_space<vmem>>, vector<16xf32>,
          %min3A_222 = arith.minimumf %get3A_221, %get3A_204 : vector<16xf32>
          %swap3A_223 = arith.index_cast %reduce_sum3A_107 : i32 to index
          %swap3A_224 = arith.constant 64 : index
          %swap3A_225 = tpu.vector_load %arg11[%swap3A_223, %swap3A_224] {strides = array<i32>} : memref<320x128xf32, #tpu.memory_space<vmem>>, vector<16xf32>,
          tpu.vector_store %arg11[%swap3A_223, %swap3A_224], %min3A_222 {strides = array<i32>} : memref<320x128xf32, #tpu.memory_space<vmem>>, vector<16xf32>,
          %get3A_226 = arith.index_cast %while3A_91 : i32 to index
          %get3A_227 = arith.constant 80 : index
          %get3A_228 = tpu.vector_load %arg17[%get3A_226, %get3A_227] {strides = array<i32>} : memref<32x128xf32, #tpu.memory_space<vmem>>, vector<16xf32>,
          %get3A_229 = arith.index_cast %reduce_sum3A_107 : i32 to index
          %get3A_230 = arith.constant 80 : index
          %get3A_231 = tpu.vector_load %arg9[%get3A_229, %get3A_230] {strides = array<i32>} : memref<320x128xf32, #tpu.memory_space<vmem>>, vector<16xf32>,
          %add3A_232 = arith.addf %get3A_231, %get3A_228 : vector<16xf32>
          %swap3A_233 = arith.index_cast %reduce_sum3A_107 : i32 to index
          %swap3A_234 = arith.constant 80 : index
          %swap3A_235 = tpu.vector_load %arg9[%swap3A_233, %swap3A_234] {strides = array<i32>} : memref<320x128xf32, #tpu.memory_space<vmem>>, vector<16xf32>,
          tpu.vector_store %arg9[%swap3A_233, %swap3A_234], %add3A_232 {strides = array<i32>} : memref<320x128xf32, #tpu.memory_space<vmem>>, vector<16xf32>,
          %get3A_236 = arith.index_cast %reduce_sum3A_107 : i32 to index
          %get3A_237 = arith.constant 80 : index
          %get3A_238 = tpu.vector_load %arg10[%get3A_236, %get3A_237] {strides = array<i32>} : memref<320x128xf32, #tpu.memory_space<vmem>>, vector<16xf32>,
          %max3A_239 = arith.maximumf %get3A_238, %get3A_228 : vector<16xf32>
          %swap3A_240 = arith.index_cast %reduce_sum3A_107 : i32 to index
          %swap3A_241 = arith.constant 80 : index
          %swap3A_242 = tpu.vector_load %arg10[%swap3A_240, %swap3A_241] {strides = array<i32>} : memref<320x128xf32, #tpu.memory_space<vmem>>, vector<16xf32>,
          tpu.vector_store %arg10[%swap3A_240, %swap3A_241], %max3A_239 {strides = array<i32>} : memref<320x128xf32, #tpu.memory_space<vmem>>, vector<16xf32>,
          %get3A_243 = arith.index_cast %reduce_sum3A_107 : i32 to index
          %get3A_244 = arith.constant 80 : index
          %get3A_245 = tpu.vector_load %arg11[%get3A_243, %get3A_244] {strides = array<i32>} : memref<320x128xf32, #tpu.memory_space<vmem>>, vector<16xf32>,
          %min3A_246 = arith.minimumf %get3A_245, %get3A_228 : vector<16xf32>
          %swap3A_247 = arith.index_cast %reduce_sum3A_107 : i32 to index
          %swap3A_248 = arith.constant 80 : index
          %swap3A_249 = tpu.vector_load %arg11[%swap3A_247, %swap3A_248] {strides = array<i32>} : memref<320x128xf32, #tpu.memory_space<vmem>>, vector<16xf32>,
          tpu.vector_store %arg11[%swap3A_247, %swap3A_248], %min3A_246 {strides = array<i32>} : memref<320x128xf32, #tpu.memory_space<vmem>>, vector<16xf32>,
          %get3A_250 = arith.index_cast %while3A_91 : i32 to index
          %get3A_251 = arith.constant 96 : index
          %get3A_252 = tpu.vector_load %arg17[%get3A_250, %get3A_251] {strides = array<i32>} : memref<32x128xf32, #tpu.memory_space<vmem>>, vector<16xf32>,
          %get3A_253 = arith.index_cast %reduce_sum3A_107 : i32 to index
          %get3A_254 = arith.constant 96 : index
          %get3A_255 = tpu.vector_load %arg9[%get3A_253, %get3A_254] {strides = array<i32>} : memref<320x128xf32, #tpu.memory_space<vmem>>, vector<16xf32>,
          %add3A_256 = arith.addf %get3A_255, %get3A_252 : vector<16xf32>
          %swap3A_257 = arith.index_cast %reduce_sum3A_107 : i32 to index
          %swap3A_258 = arith.constant 96 : index
          %swap3A_259 = tpu.vector_load %arg9[%swap3A_257, %swap3A_258] {strides = array<i32>} : memref<320x128xf32, #tpu.memory_space<vmem>>, vector<16xf32>,
          tpu.vector_store %arg9[%swap3A_257, %swap3A_258], %add3A_256 {strides = array<i32>} : memref<320x128xf32, #tpu.memory_space<vmem>>, vector<16xf32>,
          %get3A_260 = arith.index_cast %reduce_sum3A_107 : i32 to index
          %get3A_261 = arith.constant 96 : index
          %get3A_262 = tpu.vector_load %arg10[%get3A_260, %get3A_261] {strides = array<i32>} : memref<320x128xf32, #tpu.memory_space<vmem>>, vector<16xf32>,
          %max3A_263 = arith.maximumf %get3A_262, %get3A_252 : vector<16xf32>
          %swap3A_264 = arith.index_cast %reduce_sum3A_107 : i32 to index
          %swap3A_265 = arith.constant 96 : index
          %swap3A_266 = tpu.vector_load %arg10[%swap3A_264, %swap3A_265] {strides = array<i32>} : memref<320x128xf32, #tpu.memory_space<vmem>>, vector<16xf32>,
          tpu.vector_store %arg10[%swap3A_264, %swap3A_265], %max3A_263 {strides = array<i32>} : memref<320x128xf32, #tpu.memory_space<vmem>>, vector<16xf32>,
          %get3A_267 = arith.index_cast %reduce_sum3A_107 : i32 to index
          %get3A_268 = arith.constant 96 : index
          %get3A_269 = tpu.vector_load %arg11[%get3A_267, %get3A_268] {strides = array<i32>} : memref<320x128xf32, #tpu.memory_space<vmem>>, vector<16xf32>,
          %min3A_270 = arith.minimumf %get3A_269, %get3A_252 : vector<16xf32>
          %swap3A_271 = arith.index_cast %reduce_sum3A_107 : i32 to index
          %swap3A_272 = arith.constant 96 : index
          %swap3A_273 = tpu.vector_load %arg11[%swap3A_271, %swap3A_272] {strides = array<i32>} : memref<320x128xf32, #tpu.memory_space<vmem>>, vector<16xf32>,
          tpu.vector_store %arg11[%swap3A_271, %swap3A_272], %min3A_270 {strides = array<i32>} : memref<320x128xf32, #tpu.memory_space<vmem>>, vector<16xf32>,
          %get3A_274 = arith.index_cast %while3A_91 : i32 to index
          %get3A_275 = arith.constant 112 : index
          %get3A_276 = tpu.vector_load %arg17[%get3A_274, %get3A_275] {strides = array<i32>} : memref<32x128xf32, #tpu.memory_space<vmem>>, vector<16xf32>,
          %get3A_277 = arith.index_cast %reduce_sum3A_107 : i32 to index
          %get3A_278 = arith.constant 112 : index
          %get3A_279 = tpu.vector_load %arg9[%get3A_277, %get3A_278] {strides = array<i32>} : memref<320x128xf32, #tpu.memory_space<vmem>>, vector<16xf32>,
          %add3A_280 = arith.addf %get3A_279, %get3A_276 : vector<16xf32>
          %swap3A_281 = arith.index_cast %reduce_sum3A_107 : i32 to index
          %swap3A_282 = arith.constant 112 : index
          %swap3A_283 = tpu.vector_load %arg9[%swap3A_281, %swap3A_282] {strides = array<i32>} : memref<320x128xf32, #tpu.memory_space<vmem>>, vector<16xf32>,
          tpu.vector_store %arg9[%swap3A_281, %swap3A_282], %add3A_280 {strides = array<i32>} : memref<320x128xf32, #tpu.memory_space<vmem>>, vector<16xf32>,
          %get3A_284 = arith.index_cast %reduce_sum3A_107 : i32 to index
          %get3A_285 = arith.constant 112 : index
          %get3A_286 = tpu.vector_load %arg10[%get3A_284, %get3A_285] {strides = array<i32>} : memref<320x128xf32, #tpu.memory_space<vmem>>, vector<16xf32>,
          %max3A_287 = arith.maximumf %get3A_286, %get3A_276 : vector<16xf32>
          %swap3A_288 = arith.index_cast %reduce_sum3A_107 : i32 to index
          %swap3A_289 = arith.constant 112 : index
          %swap3A_290 = tpu.vector_load %arg10[%swap3A_288, %swap3A_289] {strides = array<i32>} : memref<320x128xf32, #tpu.memory_space<vmem>>, vector<16xf32>,
          tpu.vector_store %arg10[%swap3A_288, %swap3A_289], %max3A_287 {strides = array<i32>} : memref<320x128xf32, #tpu.memory_space<vmem>>, vector<16xf32>,
          %get3A_291 = arith.index_cast %reduce_sum3A_107 : i32 to index
          %get3A_292 = arith.constant 112 : index
          %get3A_293 = tpu.vector_load %arg11[%get3A_291, %get3A_292] {strides = array<i32>} : memref<320x128xf32, #tpu.memory_space<vmem>>, vector<16xf32>,
          %min3A_294 = arith.minimumf %get3A_293, %get3A_276 : vector<16xf32>
          %swap3A_295 = arith.index_cast %reduce_sum3A_107 : i32 to index
          %swap3A_296 = arith.constant 112 : index
          %swap3A_297 = tpu.vector_load %arg11[%swap3A_295, %swap3A_296] {strides = array<i32>} : memref<320x128xf32, #tpu.memory_space<vmem>>, vector<16xf32>,
          tpu.vector_store %arg11[%swap3A_295, %swap3A_296], %min3A_294 {strides = array<i32>} : memref<320x128xf32, #tpu.memory_space<vmem>>, vector<16xf32>,
          %while3A_298 = arith.constant 0 : i32
          scf.yield %while3A_298 : i32
        }
        %while3A_90 = arith.constant 0 : i32
        scf.yield %while3A_90 : i32
      }
    }
    %scan3A_22 = arith.constant 500 : i32
    "tpu.region"() ({
      %run_scoped3A = tpu.sem_alloc : memref<!tpu.dma_semaphore, #tpu.memory_space<semaphore_mem>>
      %dma_start3A = arith.constant 0 : i32
      %dma_start3A_23 = tpu.memref_slice %arg5[%mul3A_2, %dma_start3A] : memref<10240x128xf32, #tpu.memory_space<hbm>> -> memref<320x128xf32, #tpu.memory_space<hbm>>
      %dma_start3A_24 = arith.constant 0 : i32
      %dma_start3A_25 = tpu.memref_slice %arg5[%mul3A_2, %dma_start3A_24] : memref<10240x128xf32, #tpu.memory_space<hbm>> -> memref<320x128xf32, #tpu.memory_space<hbm>>
      tpu.enqueue_dma source(%arg9 : memref<320x128xf32, #tpu.memory_space<vmem>>) target(%dma_start3A_25 : memref<320x128xf32, #tpu.memory_space<hbm>>) target_semaphore(%run_scoped3A : memref<!tpu.dma_semaphore, #tpu.memory_space<semaphore_mem>>)
      %dma_wait3A = arith.constant 0 : i32
      %dma_wait3A_26 = tpu.memref_slice %arg5[%mul3A_2, %dma_wait3A] : memref<10240x128xf32, #tpu.memory_space<hbm>> -> memref<320x128xf32, #tpu.memory_space<hbm>>
      %dma_wait3A_27 = arith.constant 0 : i32
      %dma_wait3A_28 = tpu.memref_slice %arg5[%mul3A_2, %dma_wait3A_27] : memref<10240x128xf32, #tpu.memory_space<hbm>> -> memref<320x128xf32, #tpu.memory_space<hbm>>
      tpu.wait_dma2 semaphore(%run_scoped3A : memref<!tpu.dma_semaphore, #tpu.memory_space<semaphore_mem>>) src(%arg9 : memref<320x128xf32, #tpu.memory_space<vmem>>) dst(%dma_wait3A_28 : memref<320x128xf32, #tpu.memory_space<hbm>>)
      tpu.yield
    }) : () -> ()
    "tpu.region"() ({
      %run_scoped3A = tpu.sem_alloc : memref<!tpu.dma_semaphore, #tpu.memory_space<semaphore_mem>>
      %dma_start3A = arith.constant 0 : i32
      %dma_start3A_23 = tpu.memref_slice %arg6[%mul3A_2, %dma_start3A] : memref<10240x128xf32, #tpu.memory_space<hbm>> -> memref<320x128xf32, #tpu.memory_space<hbm>>
      %dma_start3A_24 = arith.constant 0 : i32
      %dma_start3A_25 = tpu.memref_slice %arg6[%mul3A_2, %dma_start3A_24] : memref<10240x128xf32, #tpu.memory_space<hbm>> -> memref<320x128xf32, #tpu.memory_space<hbm>>
      tpu.enqueue_dma source(%arg10 : memref<320x128xf32, #tpu.memory_space<vmem>>) target(%dma_start3A_25 : memref<320x128xf32, #tpu.memory_space<hbm>>) target_semaphore(%run_scoped3A : memref<!tpu.dma_semaphore, #tpu.memory_space<semaphore_mem>>)
      %dma_wait3A = arith.constant 0 : i32
      %dma_wait3A_26 = tpu.memref_slice %arg6[%mul3A_2, %dma_wait3A] : memref<10240x128xf32, #tpu.memory_space<hbm>> -> memref<320x128xf32, #tpu.memory_space<hbm>>
      %dma_wait3A_27 = arith.constant 0 : i32
      %dma_wait3A_28 = tpu.memref_slice %arg6[%mul3A_2, %dma_wait3A_27] : memref<10240x128xf32, #tpu.memory_space<hbm>> -> memref<320x128xf32, #tpu.memory_space<hbm>>
      tpu.wait_dma2 semaphore(%run_scoped3A : memref<!tpu.dma_semaphore, #tpu.memory_space<semaphore_mem>>) src(%arg10 : memref<320x128xf32, #tpu.memory_space<vmem>>) dst(%dma_wait3A_28 : memref<320x128xf32, #tpu.memory_space<hbm>>)
      tpu.yield
    }) : () -> ()
    "tpu.region"() ({
      %run_scoped3A = tpu.sem_alloc : memref<!tpu.dma_semaphore, #tpu.memory_space<semaphore_mem>>
      %dma_start3A = arith.constant 0 : i32
      %dma_start3A_23 = tpu.memref_slice %arg7[%mul3A_2, %dma_start3A] : memref<10240x128xf32, #tpu.memory_space<hbm>> -> memref<320x128xf32, #tpu.memory_space<hbm>>
      %dma_start3A_24 = arith.constant 0 : i32
      %dma_start3A_25 = tpu.memref_slice %arg7[%mul3A_2, %dma_start3A_24] : memref<10240x128xf32, #tpu.memory_space<hbm>> -> memref<320x128xf32, #tpu.memory_space<hbm>>
      tpu.enqueue_dma source(%arg11 : memref<320x128xf32, #tpu.memory_space<vmem>>) target(%dma_start3A_25 : memref<320x128xf32, #tpu.memory_space<hbm>>) target_semaphore(%run_scoped3A : memref<!tpu.dma_semaphore, #tpu.memory_space<semaphore_mem>>)
      %dma_wait3A = arith.constant 0 : i32
      %dma_wait3A_26 = tpu.memref_slice %arg7[%mul3A_2, %dma_wait3A] : memref<10240x128xf32, #tpu.memory_space<hbm>> -> memref<320x128xf32, #tpu.memory_space<hbm>>
      %dma_wait3A_27 = arith.constant 0 : i32
      %dma_wait3A_28 = tpu.memref_slice %arg7[%mul3A_2, %dma_wait3A_27] : memref<10240x128xf32, #tpu.memory_space<hbm>> -> memref<320x128xf32, #tpu.memory_space<hbm>>
      tpu.wait_dma2 semaphore(%run_scoped3A : memref<!tpu.dma_semaphore, #tpu.memory_space<semaphore_mem>>) src(%arg11 : memref<320x128xf32, #tpu.memory_space<vmem>>) dst(%dma_wait3A_28 : memref<320x128xf32, #tpu.memory_space<hbm>>)
      tpu.yield
    }) : () -> ()
    "tpu.region"() ({
      %run_scoped3A = tpu.sem_alloc : memref<!tpu.dma_semaphore, #tpu.memory_space<semaphore_mem>>
      %dma_start3A = arith.constant 0 : i32
      %dma_start3A_23 = tpu.memref_slice %arg8[%add3A, %dma_start3A] : memref<32x320xf32, #tpu.memory_space<hbm>> -> memref<1x320xf32, #tpu.memory_space<hbm>>
      %dma_start3A_24 = tpu.memref_squeeze %dma_start3A_23 : memref<1x320xf32, #tpu.memory_space<hbm>> -> memref<320xf32, #tpu.memory_space<hbm>>
      %dma_start3A_25 = arith.constant 0 : i32
      %dma_start3A_26 = tpu.memref_slice %arg8[%add3A, %dma_start3A_25] : memref<32x320xf32, #tpu.memory_space<hbm>> -> memref<1x320xf32, #tpu.memory_space<hbm>>
      %dma_start3A_27 = tpu.memref_squeeze %dma_start3A_26 : memref<1x320xf32, #tpu.memory_space<hbm>> -> memref<320xf32, #tpu.memory_space<hbm>>
      tpu.enqueue_dma source(%arg12 : memref<320xf32, #tpu.memory_space<vmem>>) target(%dma_start3A_27 : memref<320xf32, #tpu.memory_space<hbm>>) target_semaphore(%run_scoped3A : memref<!tpu.dma_semaphore, #tpu.memory_space<semaphore_mem>>)
      %dma_wait3A = arith.constant 0 : i32
      %dma_wait3A_28 = tpu.memref_slice %arg8[%add3A, %dma_wait3A] : memref<32x320xf32, #tpu.memory_space<hbm>> -> memref<1x320xf32, #tpu.memory_space<hbm>>
      %dma_wait3A_29 = tpu.memref_squeeze %dma_wait3A_28 : memref<1x320xf32, #tpu.memory_space<hbm>> -> memref<320xf32, #tpu.memory_space<hbm>>
      %dma_wait3A_30 = arith.constant 0 : i32
      %dma_wait3A_31 = tpu.memref_slice %arg8[%add3A, %dma_wait3A_30] : memref<32x320xf32, #tpu.memory_space<hbm>> -> memref<1x320xf32, #tpu.memory_space<hbm>>
      %dma_wait3A_32 = tpu.memref_squeeze %dma_wait3A_31 : memref<1x320xf32, #tpu.memory_space<hbm>> -> memref<320xf32, #tpu.memory_space<hbm>>
      tpu.wait_dma2 semaphore(%run_scoped3A : memref<!tpu.dma_semaphore, #tpu.memory_space<semaphore_mem>>) src(%arg12 : memref<320xf32, #tpu.memory_space<vmem>>) dst(%dma_wait3A_32 : memref<320xf32, #tpu.memory_space<hbm>>)
      tpu.yield
    }) : () -> ()
    return
  }
}

module attributes {stable_mosaic.version = 14 : i64} {
  func.func @pre_kernel(%arg0: i32, %arg1: memref<1000x128xf32, #tpu.memory_space<vmem>>, %arg2: memref<1000x128xf32, #tpu.memory_space<vmem>>, %arg3: memref<1000x128xf32, #tpu.memory_space<vmem>>, %arg4: memref<1000x1xf32, #tpu.memory_space<vmem>>, %arg5: memref<1000x1xf32, #tpu.memory_space<vmem>>, %arg6: memref<9x128x128xf32, #tpu.memory_space<vmem>>, %arg7: memref<1x128xf32, #tpu.memory_space<vmem>>, %arg8: memref<1000x128xf32, #tpu.memory_space<vmem>>, %arg9: memref<2x128xf32, #tpu.memory_space<vmem>>, %arg10: memref<2x128xf32, #tpu.memory_space<vmem>>) attributes {dimension_semantics = [#tpu.dimension_semantics<arbitrary>], iteration_bounds = array<i64: 10>, scalar_prefetch = 0 : i64, scratch_operands = 1 : i64, tpu.core_type = #tpu.core_type<tc>, window_params = [{transform_indices = @transform_0, window_bounds = array<i64: 1000, 128>}, {transform_indices = @transform_1, window_bounds = array<i64: 1000, 128>}, {transform_indices = @transform_2, window_bounds = array<i64: 1000, 128>}, {transform_indices = @transform_3, window_bounds = array<i64: 1000, 1>}, {transform_indices = @transform_4, window_bounds = array<i64: 1000, 1>}, {pipeline_mode = #tpu.pipeline_mode<synchronous>, transform_indices = @transform_5, window_bounds = array<i64: 9, 128, 128>}, {pipeline_mode = #tpu.pipeline_mode<synchronous>, transform_indices = @transform_6, window_bounds = array<i64: 1, 128>}, {transform_indices = @transform_7, window_bounds = array<i64: 1000, 128>}, {pipeline_mode = #tpu.pipeline_mode<synchronous>, transform_indices = @transform_8, window_bounds = array<i64: 2, 128>}]} {
    %get3A = arith.constant 0 : index
    %get3A_0 = arith.constant 0 : index
    %get3A_1 = vector.load %arg4[%get3A, %get3A_0] : memref<1000x1xf32, #tpu.memory_space<vmem>>, vector<1000x1xf32>
    %gt3A = arith.constant 0.000000e+00 : f32
    %gt3A_2 = vector.broadcast %gt3A : f32 to vector<1000x1xf32>
    %gt3A_3 = arith.cmpf ogt, %get3A_1, %gt3A_2 : vector<1000x1xf32>
    %max3A = arith.constant 1.000000e+00 : f32
    %max3A_4 = vector.broadcast %max3A : f32 to vector<1000x1xf32>
    %max3A_5 = arith.maximumf %get3A_1, %max3A_4 : vector<1000x1xf32>
    %get3A_6 = arith.constant 0 : index
    %get3A_7 = arith.constant 0 : index
    %get3A_8 = vector.load %arg1[%get3A_6, %get3A_7] : memref<1000x128xf32, #tpu.memory_space<vmem>>, vector<1000x128xf32>
    %div3A = vector.broadcast %max3A_5 : vector<1000x1xf32> to vector<1000x128xf32>
    %div3A_9 = arith.divf %get3A_8, %div3A : vector<1000x128xf32>
    %get3A_10 = arith.constant 0 : index
    %get3A_11 = arith.constant 0 : index
    %get3A_12 = vector.load %arg2[%get3A_10, %get3A_11] : memref<1000x128xf32, #tpu.memory_space<vmem>>, vector<1000x128xf32>
    %jit3A = arith.constant 0.000000e+00 : f32
    %broadcast_in_dim3A = vector.shape_cast %gt3A_3 : vector<1000x1xi1> to vector<1000x1xi1>
    %broadcast_in_dim3A_13 = vector.broadcast %broadcast_in_dim3A : vector<1000x1xi1> to vector<1000x128xi1>
    %broadcast_in_dim3A_14 = vector.broadcast %jit3A : f32 to vector<1000x128xf32>
    %select_n3A = arith.select %broadcast_in_dim3A_13, %get3A_12, %broadcast_in_dim3A_14 : vector<1000x128xi1>, vector<1000x128xf32>
    %get3A_15 = arith.constant 0 : index
    %get3A_16 = arith.constant 0 : index
    %get3A_17 = vector.load %arg3[%get3A_15, %get3A_16] : memref<1000x128xf32, #tpu.memory_space<vmem>>, vector<1000x128xf32>
    %jit3A_18 = arith.constant 0.000000e+00 : f32
    %broadcast_in_dim3A_19 = vector.shape_cast %gt3A_3 : vector<1000x1xi1> to vector<1000x1xi1>
    %broadcast_in_dim3A_20 = vector.broadcast %broadcast_in_dim3A_19 : vector<1000x1xi1> to vector<1000x128xi1>
    %broadcast_in_dim3A_21 = vector.broadcast %jit3A_18 : f32 to vector<1000x128xf32>
    %select_n3A_22 = arith.select %broadcast_in_dim3A_20, %get3A_17, %broadcast_in_dim3A_21 : vector<1000x128xi1>, vector<1000x128xf32>
    %add3A = arith.constant 1.000000e+00 : f32
    %add3A_23 = vector.broadcast %add3A : f32 to vector<1000x1xf32>
    %add3A_24 = arith.addf %get3A_1, %add3A_23 : vector<1000x1xf32>
    %log3A = math.log %add3A_24 : vector<1000x1xf32>
    %mul3A = arith.constant 0.286000282 : f32
    %mul3A_25 = vector.broadcast %mul3A : f32 to vector<1000x1xf32>
    %mul3A_26 = arith.mulf %log3A, %mul3A_25 : vector<1000x1xf32>
    %max3A_27 = arith.constant 9.99999997E-7 : f32
    %max3A_28 = vector.broadcast %max3A_27 : f32 to vector<1000x1xf32>
    %max3A_29 = arith.maximumf %log3A, %max3A_28 : vector<1000x1xf32>
    %div3A_30 = arith.constant 3.496500e+00 : f32
    %div3A_31 = vector.broadcast %div3A_30 : f32 to vector<1000x1xf32>
    %div3A_32 = arith.divf %div3A_31, %max3A_29 : vector<1000x1xf32>
    %get3A_33 = arith.constant 0 : index
    %get3A_34 = arith.constant 0 : index
    %get3A_35 = arith.constant 0 : index
    %get3A_36 = vector.load %arg6[%get3A_33, %get3A_34, %get3A_35] : memref<9x128x128xf32, #tpu.memory_space<vmem>>, vector<1x128x128xf32>
    %get3A_37 = vector.shape_cast %get3A_36 : vector<1x128x128xf32> to vector<128x128xf32>
    %dot_general3A = arith.constant dense<0.000000e+00> : vector<1000x128xf32>
    %dot_general3A_38 = tpu.matmul %div3A_9, %get3A_37, %dot_general3A {dimension_numbers = #tpu.dot_dimension_numbers<[1], [0], [0], [1], [0, 0, 1, 1], [], []>, transpose_lhs_hint = false} : vector<1000x128xf32>, vector<128x128xf32>, vector<1000x128xf32> -> vector<1000x128xf32>
    %get3A_39 = arith.constant 1 : index
    %get3A_40 = arith.constant 0 : index
    %get3A_41 = arith.constant 0 : index
    %get3A_42 = vector.load %arg6[%get3A_39, %get3A_40, %get3A_41] : memref<9x128x128xf32, #tpu.memory_space<vmem>>, vector<1x128x128xf32>
    %get3A_43 = vector.shape_cast %get3A_42 : vector<1x128x128xf32> to vector<128x128xf32>
    %dot_general3A_44 = arith.constant dense<0.000000e+00> : vector<1000x128xf32>
    %dot_general3A_45 = tpu.matmul %select_n3A, %get3A_43, %dot_general3A_44 {dimension_numbers = #tpu.dot_dimension_numbers<[1], [0], [0], [1], [0, 0, 1, 1], [], []>, transpose_lhs_hint = false} : vector<1000x128xf32>, vector<128x128xf32>, vector<1000x128xf32> -> vector<1000x128xf32>
    %add3A_46 = arith.addf %dot_general3A_38, %dot_general3A_45 : vector<1000x128xf32>
    %get3A_47 = arith.constant 2 : index
    %get3A_48 = arith.constant 0 : index
    %get3A_49 = arith.constant 0 : index
    %get3A_50 = vector.load %arg6[%get3A_47, %get3A_48, %get3A_49] : memref<9x128x128xf32, #tpu.memory_space<vmem>>, vector<1x128x128xf32>
    %get3A_51 = vector.shape_cast %get3A_50 : vector<1x128x128xf32> to vector<128x128xf32>
    %dot_general3A_52 = arith.constant dense<0.000000e+00> : vector<1000x128xf32>
    %dot_general3A_53 = tpu.matmul %select_n3A_22, %get3A_51, %dot_general3A_52 {dimension_numbers = #tpu.dot_dimension_numbers<[1], [0], [0], [1], [0, 0, 1, 1], [], []>, transpose_lhs_hint = false} : vector<1000x128xf32>, vector<128x128xf32>, vector<1000x128xf32> -> vector<1000x128xf32>
    %add3A_54 = arith.addf %add3A_46, %dot_general3A_53 : vector<1000x128xf32>
    %get3A_55 = arith.constant 3 : index
    %get3A_56 = arith.constant 0 : index
    %get3A_57 = arith.constant 0 : index
    %get3A_58 = vector.load %arg6[%get3A_55, %get3A_56, %get3A_57] : memref<9x128x128xf32, #tpu.memory_space<vmem>>, vector<1x128x128xf32>
    %get3A_59 = vector.shape_cast %get3A_58 : vector<1x128x128xf32> to vector<128x128xf32>
    %dot_general3A_60 = arith.constant dense<0.000000e+00> : vector<1000x128xf32>
    %dot_general3A_61 = tpu.matmul %div3A_9, %get3A_59, %dot_general3A_60 {dimension_numbers = #tpu.dot_dimension_numbers<[1], [0], [0], [1], [0, 0, 1, 1], [], []>, transpose_lhs_hint = false} : vector<1000x128xf32>, vector<128x128xf32>, vector<1000x128xf32> -> vector<1000x128xf32>
    %get3A_62 = arith.constant 4 : index
    %get3A_63 = arith.constant 0 : index
    %get3A_64 = arith.constant 0 : index
    %get3A_65 = vector.load %arg6[%get3A_62, %get3A_63, %get3A_64] : memref<9x128x128xf32, #tpu.memory_space<vmem>>, vector<1x128x128xf32>
    %get3A_66 = vector.shape_cast %get3A_65 : vector<1x128x128xf32> to vector<128x128xf32>
    %dot_general3A_67 = arith.constant dense<0.000000e+00> : vector<1000x128xf32>
    %dot_general3A_68 = tpu.matmul %select_n3A, %get3A_66, %dot_general3A_67 {dimension_numbers = #tpu.dot_dimension_numbers<[1], [0], [0], [1], [0, 0, 1, 1], [], []>, transpose_lhs_hint = false} : vector<1000x128xf32>, vector<128x128xf32>, vector<1000x128xf32> -> vector<1000x128xf32>
    %add3A_69 = arith.addf %dot_general3A_61, %dot_general3A_68 : vector<1000x128xf32>
    %get3A_70 = arith.constant 5 : index
    %get3A_71 = arith.constant 0 : index
    %get3A_72 = arith.constant 0 : index
    %get3A_73 = vector.load %arg6[%get3A_70, %get3A_71, %get3A_72] : memref<9x128x128xf32, #tpu.memory_space<vmem>>, vector<1x128x128xf32>
    %get3A_74 = vector.shape_cast %get3A_73 : vector<1x128x128xf32> to vector<128x128xf32>
    %dot_general3A_75 = arith.constant dense<0.000000e+00> : vector<1000x128xf32>
    %dot_general3A_76 = tpu.matmul %select_n3A_22, %get3A_74, %dot_general3A_75 {dimension_numbers = #tpu.dot_dimension_numbers<[1], [0], [0], [1], [0, 0, 1, 1], [], []>, transpose_lhs_hint = false} : vector<1000x128xf32>, vector<128x128xf32>, vector<1000x128xf32> -> vector<1000x128xf32>
    %add3A_77 = arith.addf %add3A_69, %dot_general3A_76 : vector<1000x128xf32>
    %get3A_78 = arith.constant 6 : index
    %get3A_79 = arith.constant 0 : index
    %get3A_80 = arith.constant 0 : index
    %get3A_81 = vector.load %arg6[%get3A_78, %get3A_79, %get3A_80] : memref<9x128x128xf32, #tpu.memory_space<vmem>>, vector<1x128x128xf32>
    %get3A_82 = vector.shape_cast %get3A_81 : vector<1x128x128xf32> to vector<128x128xf32>
    %dot_general3A_83 = arith.constant dense<0.000000e+00> : vector<1000x128xf32>
    %dot_general3A_84 = tpu.matmul %div3A_9, %get3A_82, %dot_general3A_83 {dimension_numbers = #tpu.dot_dimension_numbers<[1], [0], [0], [1], [0, 0, 1, 1], [], []>, transpose_lhs_hint = false} : vector<1000x128xf32>, vector<128x128xf32>, vector<1000x128xf32> -> vector<1000x128xf32>
    %get3A_85 = arith.constant 7 : index
    %get3A_86 = arith.constant 0 : index
    %get3A_87 = arith.constant 0 : index
    %get3A_88 = vector.load %arg6[%get3A_85, %get3A_86, %get3A_87] : memref<9x128x128xf32, #tpu.memory_space<vmem>>, vector<1x128x128xf32>
    %get3A_89 = vector.shape_cast %get3A_88 : vector<1x128x128xf32> to vector<128x128xf32>
    %dot_general3A_90 = arith.constant dense<0.000000e+00> : vector<1000x128xf32>
    %dot_general3A_91 = tpu.matmul %select_n3A, %get3A_89, %dot_general3A_90 {dimension_numbers = #tpu.dot_dimension_numbers<[1], [0], [0], [1], [0, 0, 1, 1], [], []>, transpose_lhs_hint = false} : vector<1000x128xf32>, vector<128x128xf32>, vector<1000x128xf32> -> vector<1000x128xf32>
    %add3A_92 = arith.addf %dot_general3A_84, %dot_general3A_91 : vector<1000x128xf32>
    %get3A_93 = arith.constant 8 : index
    %get3A_94 = arith.constant 0 : index
    %get3A_95 = arith.constant 0 : index
    %get3A_96 = vector.load %arg6[%get3A_93, %get3A_94, %get3A_95] : memref<9x128x128xf32, #tpu.memory_space<vmem>>, vector<1x128x128xf32>
    %get3A_97 = vector.shape_cast %get3A_96 : vector<1x128x128xf32> to vector<128x128xf32>
    %dot_general3A_98 = arith.constant dense<0.000000e+00> : vector<1000x128xf32>
    %dot_general3A_99 = tpu.matmul %select_n3A_22, %get3A_97, %dot_general3A_98 {dimension_numbers = #tpu.dot_dimension_numbers<[1], [0], [0], [1], [0, 0, 1, 1], [], []>, transpose_lhs_hint = false} : vector<1000x128xf32>, vector<128x128xf32>, vector<1000x128xf32> -> vector<1000x128xf32>
    %add3A_100 = arith.addf %add3A_92, %dot_general3A_99 : vector<1000x128xf32>
    %mul3A_101 = vector.broadcast %mul3A_26 : vector<1000x1xf32> to vector<1000x128xf32>
    %mul3A_102 = arith.mulf %mul3A_101, %add3A_77 : vector<1000x128xf32>
    %add3A_103 = arith.addf %add3A_54, %mul3A_102 : vector<1000x128xf32>
    %mul3A_104 = vector.broadcast %div3A_32 : vector<1000x1xf32> to vector<1000x128xf32>
    %mul3A_105 = arith.mulf %mul3A_104, %add3A_100 : vector<1000x128xf32>
    %add3A_106 = arith.addf %add3A_103, %mul3A_105 : vector<1000x128xf32>
    %get3A_107 = arith.constant 0 : index
    %get3A_108 = arith.constant 0 : index
    %get3A_109 = vector.load %arg7[%get3A_107, %get3A_108] : memref<1x128xf32, #tpu.memory_space<vmem>>, vector<1x128xf32>
    %add3A_110 = vector.broadcast %get3A_109 : vector<1x128xf32> to vector<1000x128xf32>
    %add3A_111 = arith.addf %add3A_106, %add3A_110 : vector<1000x128xf32>
    %get3A_112 = arith.constant 0 : index
    %get3A_113 = arith.constant 0 : index
    %get3A_114 = vector.load %arg5[%get3A_112, %get3A_113] : memref<1000x1xf32, #tpu.memory_space<vmem>>, vector<1000x1xf32>
    %mul3A_115 = vector.broadcast %get3A_114 : vector<1000x1xf32> to vector<1000x128xf32>
    %mul3A_116 = arith.mulf %add3A_111, %mul3A_115 : vector<1000x128xf32>
    %swap3A = arith.constant 0 : index
    %swap3A_117 = arith.constant 0 : index
    %swap3A_118 = vector.load %arg8[%swap3A, %swap3A_117] : memref<1000x128xf32, #tpu.memory_space<vmem>>, vector<1000x128xf32>
    tpu.vector_store %arg8[%swap3A, %swap3A_117], %mul3A_116 {strides = array<i32>} : memref<1000x128xf32, #tpu.memory_space<vmem>>, vector<1000x128xf32>,
    %reduce_sum3A = arith.constant dense<0.000000e+00> : vector<128xf32>
    %reduce_sum3A_119 = vector.multi_reduction <add>, %mul3A_116, %reduce_sum3A [0] : vector<1000x128xf32> to vector<128xf32>
    %broadcast_in_dim3A_120 = vector.shape_cast %reduce_sum3A_119 : vector<128xf32> to vector<1x128xf32>
    %mul3A_121 = arith.mulf %mul3A_116, %mul3A_116 : vector<1000x128xf32>
    %reduce_sum3A_122 = arith.constant dense<0.000000e+00> : vector<128xf32>
    %reduce_sum3A_123 = vector.multi_reduction <add>, %mul3A_121, %reduce_sum3A_122 [0] : vector<1000x128xf32> to vector<128xf32>
    %broadcast_in_dim3A_124 = vector.shape_cast %reduce_sum3A_123 : vector<128xf32> to vector<1x128xf32>
    %concatenate3A = tpu.concatenate %broadcast_in_dim3A_120, %broadcast_in_dim3A_124 in 0 : vector<1x128xf32>, vector<1x128xf32> -> vector<2x128xf32>
    %eq3A = arith.constant 0 : i32
    %eq3A_125 = arith.cmpi eq, %arg0, %eq3A : i32
    %convert_element_type3A = arith.extui %eq3A_125 : i1 to i32
    %cond3A = arith.constant 0 : i32
    %cond3A_126 = arith.cmpi ne, %convert_element_type3A, %cond3A : i32
    scf.if %cond3A_126 {
      %broadcast_in_dim3A_140 = arith.constant 0.000000e+00 : f32
      %broadcast_in_dim3A_141 = vector.broadcast %broadcast_in_dim3A_140 : f32 to vector<2x128xf32>
      %swap3A_142 = arith.constant 0 : index
      %swap3A_143 = arith.constant 0 : index
      %swap3A_144 = vector.load %arg10[%swap3A_142, %swap3A_143] : memref<2x128xf32, #tpu.memory_space<vmem>>, vector<2x128xf32>
      tpu.vector_store %arg10[%swap3A_142, %swap3A_143], %broadcast_in_dim3A_141 {strides = array<i32>} : memref<2x128xf32, #tpu.memory_space<vmem>>, vector<2x128xf32>,
    } else {
    }
    %get3A_127 = arith.constant 0 : index
    %get3A_128 = arith.constant 0 : index
    %get3A_129 = vector.load %arg10[%get3A_127, %get3A_128] : memref<2x128xf32, #tpu.memory_space<vmem>>, vector<2x128xf32>
    %add3A_130 = arith.addf %get3A_129, %concatenate3A : vector<2x128xf32>
    %swap3A_131 = arith.constant 0 : index
    %swap3A_132 = arith.constant 0 : index
    %swap3A_133 = vector.load %arg10[%swap3A_131, %swap3A_132] : memref<2x128xf32, #tpu.memory_space<vmem>>, vector<2x128xf32>
    tpu.vector_store %arg10[%swap3A_131, %swap3A_132], %add3A_130 {strides = array<i32>} : memref<2x128xf32, #tpu.memory_space<vmem>>, vector<2x128xf32>,
    %get3A_134 = arith.constant 0 : index
    %get3A_135 = arith.constant 0 : index
    %get3A_136 = vector.load %arg10[%get3A_134, %get3A_135] : memref<2x128xf32, #tpu.memory_space<vmem>>, vector<2x128xf32>
    %swap3A_137 = arith.constant 0 : index
    %swap3A_138 = arith.constant 0 : index
    %swap3A_139 = vector.load %arg9[%swap3A_137, %swap3A_138] : memref<2x128xf32, #tpu.memory_space<vmem>>, vector<2x128xf32>
    tpu.vector_store %arg9[%swap3A_137, %swap3A_138], %get3A_136 {strides = array<i32>} : memref<2x128xf32, #tpu.memory_space<vmem>>, vector<2x128xf32>,
    return
  }
  func.func @transform_0(%arg0: i32) -> (i32, i32) {
    %c0_i32 = arith.constant 0 : i32
    %c0_i32_0 = arith.constant 0 : i32
    return %arg0, %c0_i32 : i32, i32
  }
  func.func @transform_1(%arg0: i32) -> (i32, i32) {
    %c0_i32 = arith.constant 0 : i32
    %c0_i32_0 = arith.constant 0 : i32
    return %arg0, %c0_i32 : i32, i32
  }
  func.func @transform_2(%arg0: i32) -> (i32, i32) {
    %c0_i32 = arith.constant 0 : i32
    %c0_i32_0 = arith.constant 0 : i32
    return %arg0, %c0_i32 : i32, i32
  }
  func.func @transform_3(%arg0: i32) -> (i32, i32) {
    %c0_i32 = arith.constant 0 : i32
    %c0_i32_0 = arith.constant 0 : i32
    return %arg0, %c0_i32 : i32, i32
  }
  func.func @transform_4(%arg0: i32) -> (i32, i32) {
    %c0_i32 = arith.constant 0 : i32
    %c0_i32_0 = arith.constant 0 : i32
    return %arg0, %c0_i32 : i32, i32
  }
  func.func @transform_5(%arg0: i32) -> (i32, i32, i32) {
    %c0_i32 = arith.constant 0 : i32
    %c0_i32_0 = arith.constant 0 : i32
    %c0_i32_1 = arith.constant 0 : i32
    %c0_i32_2 = arith.constant 0 : i32
    return %c0_i32, %c0_i32_0, %c0_i32_1 : i32, i32, i32
  }
  func.func @transform_6(%arg0: i32) -> (i32, i32) {
    %c0_i32 = arith.constant 0 : i32
    %c0_i32_0 = arith.constant 0 : i32
    %c0_i32_1 = arith.constant 0 : i32
    return %c0_i32, %c0_i32_0 : i32, i32
  }
  func.func @transform_7(%arg0: i32) -> (i32, i32) {
    %c0_i32 = arith.constant 0 : i32
    %c0_i32_0 = arith.constant 0 : i32
    return %arg0, %c0_i32 : i32, i32
  }
  func.func @transform_8(%arg0: i32) -> (i32, i32) {
    %c0_i32 = arith.constant 0 : i32
    %c0_i32_0 = arith.constant 0 : i32
    %c0_i32_1 = arith.constant 0 : i32
    return %c0_i32, %c0_i32_0 : i32, i32
  }
}

module attributes {stable_mosaic.version = 14 : i64} {
  func.func @post_kernel(%arg0: i32, %arg1: memref<1000x128xf32, #tpu.memory_space<vmem>>, %arg2: memref<1000x128xf32, #tpu.memory_space<vmem>>, %arg3: memref<2x128xf32, #tpu.memory_space<vmem>>, %arg4: memref<1x128xf32, #tpu.memory_space<vmem>>, %arg5: memref<1x128xf32, #tpu.memory_space<vmem>>, %arg6: memref<1000x128xf32, #tpu.memory_space<vmem>>) attributes {dimension_semantics = [#tpu.dimension_semantics<arbitrary>], iteration_bounds = array<i64: 10>, scalar_prefetch = 0 : i64, scratch_operands = 0 : i64, tpu.core_type = #tpu.core_type<tc>, window_params = [{transform_indices = @transform_0, window_bounds = array<i64: 1000, 128>}, {transform_indices = @transform_1, window_bounds = array<i64: 1000, 128>}, {pipeline_mode = #tpu.pipeline_mode<synchronous>, transform_indices = @transform_2, window_bounds = array<i64: 2, 128>}, {pipeline_mode = #tpu.pipeline_mode<synchronous>, transform_indices = @transform_3, window_bounds = array<i64: 1, 128>}, {pipeline_mode = #tpu.pipeline_mode<synchronous>, transform_indices = @transform_4, window_bounds = array<i64: 1, 128>}, {transform_indices = @transform_5, window_bounds = array<i64: 1000, 128>}]} {
    %get3A = arith.constant 0 : index
    %get3A_0 = arith.constant 0 : index
    %get3A_1 = vector.load %arg3[%get3A, %get3A_0] : memref<2x128xf32, #tpu.memory_space<vmem>>, vector<1x128xf32>
    %mul3A = arith.constant 9.99999974E-5 : f32
    %mul3A_2 = vector.broadcast %mul3A : f32 to vector<1x128xf32>
    %mul3A_3 = arith.mulf %get3A_1, %mul3A_2 : vector<1x128xf32>
    %get3A_4 = arith.constant 1 : index
    %get3A_5 = arith.constant 0 : index
    %get3A_6 = vector.load %arg3[%get3A_4, %get3A_5] : memref<2x128xf32, #tpu.memory_space<vmem>>, vector<1x128xf32>
    %mul3A_7 = arith.constant 9.99999974E-5 : f32
    %mul3A_8 = vector.broadcast %mul3A_7 : f32 to vector<1x128xf32>
    %mul3A_9 = arith.mulf %get3A_6, %mul3A_8 : vector<1x128xf32>
    %mul3A_10 = arith.mulf %mul3A_3, %mul3A_3 : vector<1x128xf32>
    %sub3A = arith.subf %mul3A_9, %mul3A_10 : vector<1x128xf32>
    %get3A_11 = arith.constant 0 : index
    %get3A_12 = arith.constant 0 : index
    %get3A_13 = vector.load %arg1[%get3A_11, %get3A_12] : memref<1000x128xf32, #tpu.memory_space<vmem>>, vector<1000x128xf32>
    %sub3A_14 = vector.broadcast %mul3A_3 : vector<1x128xf32> to vector<1000x128xf32>
    %sub3A_15 = arith.subf %get3A_13, %sub3A_14 : vector<1000x128xf32>
    %add3A = arith.constant 9.99999974E-6 : f32
    %add3A_16 = vector.broadcast %add3A : f32 to vector<1x128xf32>
    %add3A_17 = arith.addf %sub3A, %add3A_16 : vector<1x128xf32>
    %rsqrt3A = math.rsqrt %add3A_17 : vector<1x128xf32>
    %mul3A_18 = vector.broadcast %rsqrt3A : vector<1x128xf32> to vector<1000x128xf32>
    %mul3A_19 = arith.mulf %sub3A_15, %mul3A_18 : vector<1000x128xf32>
    %get3A_20 = arith.constant 0 : index
    %get3A_21 = arith.constant 0 : index
    %get3A_22 = vector.load %arg4[%get3A_20, %get3A_21] : memref<1x128xf32, #tpu.memory_space<vmem>>, vector<1x128xf32>
    %mul3A_23 = vector.broadcast %get3A_22 : vector<1x128xf32> to vector<1000x128xf32>
    %mul3A_24 = arith.mulf %mul3A_19, %mul3A_23 : vector<1000x128xf32>
    %get3A_25 = arith.constant 0 : index
    %get3A_26 = arith.constant 0 : index
    %get3A_27 = vector.load %arg5[%get3A_25, %get3A_26] : memref<1x128xf32, #tpu.memory_space<vmem>>, vector<1x128xf32>
    %add3A_28 = vector.broadcast %get3A_27 : vector<1x128xf32> to vector<1000x128xf32>
    %add3A_29 = arith.addf %mul3A_24, %add3A_28 : vector<1000x128xf32>
    %max3A = arith.constant 0.000000e+00 : f32
    %max3A_30 = vector.broadcast %max3A : f32 to vector<1000x128xf32>
    %max3A_31 = arith.maximumf %add3A_29, %max3A_30 : vector<1000x128xf32>
    %get3A_32 = arith.constant 0 : index
    %get3A_33 = arith.constant 0 : index
    %get3A_34 = vector.load %arg2[%get3A_32, %get3A_33] : memref<1000x128xf32, #tpu.memory_space<vmem>>, vector<1000x128xf32>
    %add3A_35 = arith.addf %max3A_31, %get3A_34 : vector<1000x128xf32>
    %swap3A = arith.constant 0 : index
    %swap3A_36 = arith.constant 0 : index
    %swap3A_37 = vector.load %arg6[%swap3A, %swap3A_36] : memref<1000x128xf32, #tpu.memory_space<vmem>>, vector<1000x128xf32>
    tpu.vector_store %arg6[%swap3A, %swap3A_36], %add3A_35 {strides = array<i32>} : memref<1000x128xf32, #tpu.memory_space<vmem>>, vector<1000x128xf32>,
    return
  }
  func.func @transform_0(%arg0: i32) -> (i32, i32) {
    %c0_i32 = arith.constant 0 : i32
    %c0_i32_0 = arith.constant 0 : i32
    return %arg0, %c0_i32 : i32, i32
  }
  func.func @transform_1(%arg0: i32) -> (i32, i32) {
    %c0_i32 = arith.constant 0 : i32
    %c0_i32_0 = arith.constant 0 : i32
    return %arg0, %c0_i32 : i32, i32
  }
  func.func @transform_2(%arg0: i32) -> (i32, i32) {
    %c0_i32 = arith.constant 0 : i32
    %c0_i32_0 = arith.constant 0 : i32
    %c0_i32_1 = arith.constant 0 : i32
    return %c0_i32, %c0_i32_0 : i32, i32
  }
  func.func @transform_3(%arg0: i32) -> (i32, i32) {
    %c0_i32 = arith.constant 0 : i32
    %c0_i32_0 = arith.constant 0 : i32
    %c0_i32_1 = arith.constant 0 : i32
    return %c0_i32, %c0_i32_0 : i32, i32
  }
  func.func @transform_4(%arg0: i32) -> (i32, i32) {
    %c0_i32 = arith.constant 0 : i32
    %c0_i32_0 = arith.constant 0 : i32
    %c0_i32_1 = arith.constant 0 : i32
    return %c0_i32, %c0_i32_0 : i32, i32
  }
  func.func @transform_5(%arg0: i32) -> (i32, i32) {
    %c0_i32 = arith.constant 0 : i32
    %c0_i32_0 = arith.constant 0 : i32
    return %arg0, %c0_i32 : i32, i32
  }
}

</mosaic_0001>

<sc_bundles>
// kernel: kernel.5.cloned.1.call-start
scs
__scs_entry_jumppad:
0x0: {  	(pc) =	sbr.rel $0x88, $3  }
0x1: {  	(tag) =	ssettag $0x0;
	lr =	simm.s32 $0x1  }
0x2: {  	[smem:$0x3F9A] =	sst lr;
	_ =	strace $0xD0000000  }
0x3: {  	_ = 	snop  }
0x4: {  	_ = 	snop  }
0x5: {  	_ = 	snop  }
0x6: {  	_ = 	snop  }
0x7: {  	_ = 	snop  }
__scs_overlays_trampoline_lowered:
0x8: {  	[smem:$0x3FA9] =	sst s0  }
0x9: {  	[smem:$0x3FAA] =	sst s1  }
0xa: {  	[smem:$0x3FAB] =	sst s2  }
0xb: {  	[smem:$0x3FAC] =	sst s3  }
0xc: {  	[smem:$0x3FAD] =	sst s4  }
0xd: {  	[smem:$0x3FAE] =	sst s5  }
0xe: {  	[smem:$0x3FAF] =	sst s6  }
0xf: {  	[smem:$0x3FB0] =	sst s7  }
0x10: {  	[smem:$0x3FB1] =	sst s8  }
0x11: {  	[smem:$0x3FB2] =	sst s9;
	s0 =	simm.s32 @!p0 $0x0  }
0x12: {  	s1 =	sld [smem:$0x3F98];
	s0 =	simm.s32 @p0 $0x1  }
0x13: {  	[smem:$0x3FB3] =	sst s0;
	s0 =	simm.s32 @!p1 $0x0  }
0x14: {  	s2 =	sld [smem:$0x3F97];
	s0 =	simm.s32 @p1 $0x1  }
0x15: {  	[smem:$0x3FB4] =	sst s0;
	s0 =	simm.s32 @!p2 $0x0  }
0x16: {  	s3 =	sld [smem:$0x3FDB];
	s0 =	simm.s32 @p2 $0x1  }
0x17: {  	s4 =	simm.s32 $0x1BF5;
	[smem:$0x3FB6] =	sst s0  }
0x18: {  	s0 =	sld [smem:$0x3F99];
	_ =	swait.ge [sflag:s4], $0x0  }
0x19: {  	s7 =	sld [smem:$0x3F9A]  }
0x1a: {  	s8 =	sadd.s32 $0xFFFFE003, lr  }
0x1b: {  	s9 =	sadd.s32 $0xFFFFFEF7, lr;
	s5 =	simm.s32 $0xFFFFFFFF;
	p2 =	slt.u32 s8, $0xFFFFF086  }
0x1c: {  	p1 =	slt.u32 s9, $0xF7A;
	s5 =	simm.s32 @!p2 $0x0  }
0x1d: {  	s5 =	simm.s32 @p1 $0x1;
	p0 =	seq.s32 s7, s2  }
0x1e: {  	s7 =	smul.u32 @!p0 $0xF7A, s2;
	p2 =	seq.s32 @!p0 s5, $0x0  }
0x1f: {  	s9 =	smul.u32 $0xF7A, s1;
	s8 =	simm.s32 @!p0 $0x1BF5;
	p2 =	por !p2, p0  }
0x20: {  	[sflag:s8] =	ssyncset.s32 @!p0 $0xFFFFF086;
	s6 =	sadd.s32 @!p0 s3, s7;
	s7 =	simm.s32 @!p0 $0x108  }
0x21: {  	s3 =	sadd.s32 s3, s9;
	s6 =	sadd.s32 @!p0 $0x88, s6;
	s7 =	simm.s32 @p2 $0x1082  }
0x22: {  	[simem:s7], [sflag:s8] =	dma.local @!p0 [hbm:s6], $0xF7A  }
0x23: {  	s9 =	sor.u32 $0xD0000000, s2;
	s6 =	simm.s32 $0x108;
	_ =	swait.ge @!p0 [sflag:s8], $0x0  }
0x24: {  	s3 =	sadd.s32 $0x88, s3;
	s6 =	simm.s32 @!p1 $0x1082;
	[sflag:s4] =	ssyncset.s32 $0xFFFFF086  }
0x25: {  	[simem:s6], [sflag:s4] =	dma.local [hbm:s3], $0xF7A  }
0x26: {  	[smem:$0x3F9A] =	sst s1;
	(tag) =	ssettag s2;
	_ =	strace s9  }
0x27: {  	s1 =	sld [smem:$0x3FAA]  }
0x28: {  	s2 =	sld [smem:$0x3FAB]  }
0x29: {  	s4 =	sld [smem:$0x3FAD]  }
0x2a: {  	p0 =	seq.s32 s5, $0x0;
	s5 =	sld [smem:$0x3FAE]  }
0x2b: {  	s6 =	sld [smem:$0x3FAF]  }
0x2c: {  	s7 =	sld [smem:$0x3FB0]  }
0x2d: {  	s3 =	simm.s32 $0x108;
	s8 =	sld [smem:$0x3FB1]  }
0x2e: {  	s3 =	simm.s32 @!p0 $0x1082;
	s9 =	sld [smem:$0x3FB2]  }
0x2f: {  	lr =	sadd.s32 s0, s3;
	s0 =	sld [smem:$0x3FA9]  }
0x30: {  	s3 =	sld [smem:$0x3FAC]  }
0x31: {  	[smem:$0x3FB5] =	sst s10  }
0x32: {  	s10 =	sld [smem:$0x3FB3];
	_ =	sdelay $0x3  }
0x33: {  	p0 =	seq.s32 s10, $0x1;
	s10 =	sld [smem:$0x3FB5];
	_ =	sdelay $0x3  }
0x34: {  	[smem:$0x3FB5] =	sst s10  }
0x35: {  	s10 =	sld [smem:$0x3FB4];
	_ =	sdelay $0x3  }
0x36: {  	p1 =	seq.s32 s10, $0x1;
	s10 =	sld [smem:$0x3FB5];
	_ =	sdelay $0x3  }
0x37: {  	[smem:$0x3FB5] =	sst s10  }
0x38: {  	s10 =	sld [smem:$0x3FB6]  }
0x39: {  	_ = 	snop;
	(pc) =	sbr.ind lr, $3  }
0x3a: {  	_ = 	snop  }
0x3b: {  	_ = 	snop  }
0x3c: {  	p2 =	seq.s32 s10, $0x1;
	s10 =	sld [smem:$0x3FB5]  }
0x3d: {  	_ =	shalt  }
0x3e: {  	_ =	shalt  }
0x3f: {  	_ =	shalt  }
0x40: {  	_ =	shalt  }
0x41: {  	_ =	shalt  }
0x42: {  	_ =	shalt  }
0x43: {  	_ =	shalt  }
0x44: {  	_ =	shalt  }
0x45: {  	_ =	shalt  }
0x46: {  	_ =	shalt  }
0x47: {  	_ =	shalt  }
0x48: {  	_ =	shalt  }
0x49: {  	_ =	shalt  }
0x4a: {  	_ =	shalt  }
0x4b: {  	_ =	shalt  }
0x4c: {  	_ =	shalt  }
0x4d: {  	_ =	shalt  }
0x4e: {  	_ =	shalt  }
0x4f: {  	_ =	shalt  }
0x50: {  	_ =	shalt  }
0x51: {  	_ =	shalt  }
0x52: {  	_ =	shalt  }
0x53: {  	_ =	shalt  }
0x54: {  	_ =	shalt  }
0x55: {  	_ =	shalt  }
0x56: {  	_ =	shalt  }
0x57: {  	_ =	shalt  }
0x58: {  	_ =	shalt  }
0x59: {  	_ =	shalt  }
0x5a: {  	_ =	shalt  }
0x5b: {  	_ =	shalt  }
0x5c: {  	_ =	shalt  }
0x5d: {  	_ =	shalt  }
0x5e: {  	_ =	shalt  }
0x5f: {  	_ =	shalt  }
0x60: {  	_ =	shalt  }
0x61: {  	_ =	shalt  }
0x62: {  	_ =	shalt  }
0x63: {  	_ =	shalt  }
0x64: {  	_ =	shalt  }
0x65: {  	_ =	shalt  }
0x66: {  	_ =	shalt  }
0x67: {  	_ =	shalt  }
0x68: {  	_ =	shalt  }
0x69: {  	_ =	shalt  }
0x6a: {  	_ =	shalt  }
0x6b: {  	_ =	shalt  }
0x6c: {  	_ =	shalt  }
0x6d: {  	_ =	shalt  }
0x6e: {  	_ =	shalt  }
0x6f: {  	_ =	shalt  }
0x70: {  	_ =	shalt  }
0x71: {  	_ =	shalt  }
0x72: {  	_ =	shalt  }
0x73: {  	_ =	shalt  }
0x74: {  	_ =	shalt  }
0x75: {  	_ =	shalt  }
0x76: {  	_ =	shalt  }
0x77: {  	_ =	shalt  }
0x78: {  	_ =	shalt  }
0x79: {  	_ =	shalt  }
0x7a: {  	_ =	shalt  }
0x7b: {  	_ =	shalt  }
0x7c: {  	_ =	shalt  }
0x7d: {  	_ =	shalt  }
0x7e: {  	_ =	shalt  }
0x7f: {  	_ =	shalt  }
0x80: {  	_ =	shalt  }
0x81: {  	_ =	shalt  }
0x82: {  	_ =	shalt  }
0x83: {  	_ =	shalt  }
0x84: {  	_ =	shalt  }
0x85: {  	_ =	shalt  }
0x86: {  	_ =	shalt  }
0x87: {  	_ =	shalt  }
.Lfunc_end0:
.L_simem_size_0:
called_computation_lowered:
.L_overlay_start_0:
0x88: {  	s2 =	sld [smem:$0x3FD9]  }
0x89: {  	s3 =	sld [smem:$0x3FFE];
	_ =	sdelay $0x1  }
0x8a: {  	s1 =	srdreg.scid  }
0x8b: {  	s0 =	sand.u32 $0x1, s1  }
0x8c: {  	s17 =	sshll.u32 s0, $0xA;
	s2 =	sadd.s32 s3, s2  }
0x8d: {  	s2 =	sadd.s32 s2, s17  }
0x8e: {  	[smem:$0x3FC1] =	sst s2  }
0x8f: {  	_ = 	snop  }
0x90: {  	s2 =	sld [smem:$0x3FC9]  }
0x91: {  	s18 =	sld [smem:$0x3FD0];
	(tm) =	ssettm $0x1  }
0x92: {  	s4 =	sld [smem:$0x3FFB];
	_ =	sdelay $0x3  }
0x93: {  	_ =	strace s4  }
0x94: {  	s4 =	sld [smem:$0x3FFC];
	_ =	sdelay $0x3  }
0x95: {  	_ =	strace s4  }
0x96: {  	s4 =	sld [smem:$0x3FFD];
	_ =	sdelay $0x3  }
0x97: {  	_ =	strace s4  }
0x98: {  	_ =	strace $0x8FFFFFFF  }
0x99: {  	s19 =	sld [smem:$0x3FDB];
	_ =	sdelay $0x1  }
0x9a: {  	s5 =	simm.s32 $_scs_section_size  }
0x9b: {  	s6 =	simm.s32 $_size__tile_overlayer_lowered;
	s7 =	simm.s32 $_tile_overlayer_lowered  }
0x9c: {  	s22 =	simm.s32 $0x1BFF;
	s21 =	sshll.u32 s7, $0x1;
	s4 =	sadd.s32 s5, s19  }
0x9d: {  	s8 =	simm.s32 $0x0;
	s20 =	sshll.u32 s6, $0x1;
	s6 =	sadd.s32 s21, s4  }
0x9e: {  	[timem:s8], [sflag:s22] =	dma.local [hbm:s6], s20  }
0x9f: {  	_ =	swait.ge [sflag:s22], s20  }
0xa0: {  	s5 =	ssub.s32 $0x0, s20;
	[sflag:s22] =	ssyncset.done $0x0  }
0xa1: {  	[sflag:s22] =	ssyncadd.s32 s5;
	_ =	sdelay $0x1  }
0xa2: {  	s23 =	simm.s32 $0x1B8B  }
0xa3: {  	_ =	swait.ge [sflag:s23], $0x1  }
0xa4: {  	[sflag:s23] =	ssyncset.done $0x0  }
0xa5: {  	s25 =	simm.s32 $0x1B8E;
	s24 =	sld [smem:$0x3FFE];
	[sflag:s23] =	ssyncadd.s32 $0xFFFFFFFF  }
0xa6: {  	s26 =	simm.s32 $execute0_lowered;
	[smem:$0x3FD2] =	sst s25  }
0xa7: {  	s6 =	sshll.u32 s26, $0x1;
	_ =	strace $0x80000046;
	[dreg:$0x1] =	wrdreg $0xFFFFFFFF  }
0xa8: {  	s28 =	simm.s32 $_size_execute0_lowered;
	s4 =	sadd.s32 s4, s6;
	[dreg:$0x0] =	wrdreg $0x0  }
0xa9: {  	s6 =	sshll.u32 s28, $0x1;
	[dreg:$0x2] =	wrdreg s4  }
0xaa: {  	[dreg:$0x3] =	wrdreg s6  }
0xab: {  	[dreg:$0x4] =	wrdreg $0xC0  }
0xac: {  	_ =	task [dreg:s8], $0x5FFFF  }
0xad: {  	[dreg:$0x1] =	wrdreg $0xFFFFFFFF  }
0xae: {  	[dreg:$0x0] =	wrdreg $0x60  }
0xaf: {  	[dreg:$0x2] =	wrdreg s24  }
0xb0: {  	[dreg:$0x3] =	wrdreg s18  }
0xb1: {  	[dreg:$0x4] =	wrdreg s2  }
0xb2: {  	[dreg:$0x5] =	wrdreg $0x9  }
0xb3: {  	_ =	task.clear_ibuf [dreg:s8], $0x6FFFF;
	_ =	strace $0x90000046  }
0xb4: {  	s29 =	simm.s32 $0x9;
	_ =	strace $0x80000048  }
0xb5: {  	_ =	swait.ge [sflag:s29], $0x1  }
0xb6: {  	[sflag:s29] =	ssyncadd.s32 $0xFFFFFFFF  }
0xb7: {  	_ =	strace $0x90000048  }
0xb8: {  	_ =	sfence  }
0xb9: {  	s30 =	sld [smem:$0x0];
	_ =	sdelay $0x2  }
0xba: {  	s31 =	sshll.u32 s1, $0xD;
	s1 =	sshrl.u32 s1, $0x2  }
0xbb: {  	s3 =	sand.u32 $0x4000, s31;
	s1 =	sadd.s32 s1, s30  }
0xbc: {  	s0 =	sor.u32 s3, s0;
	s1 =	sshll.u32 s1, $0x11  }
0xbd: {  	s0 =	sor.u32 s1, s0  }
0xbe: {  	s0 =	sadd.s32 $0x8F2B, s0  }
0xbf: {  	[sflag:s0] =	ssyncadd.remote.s32 $0x1  }
0xc0: {  	_ =	sfence.sel $0xFFFF  }
0xc1: {  	[dreg:$0x0] =	wrdreg $0xFFFFFFFF;
	(pc) =	sbr.abs _section_cstart, $3  }
0xc2: {  	[dreg:$0x1] =	wrdreg $0xFFFFFFFF  }
0xc3: {  	_ =	task.clear_ibuf [dreg:s8], $0x2FFFF;
	_ =	strace $0x9FFFFFFF  }
0xc4: {  	(tm) =	ssettm $0x7FFFFFFF  }
0xc5: {  	_ =	shalt  }
tec
execute0_lowered:
.L_overlay_start_1:
0x0: {  	(tag) =	ssettag $0x1  }
0x1: {  	s1 =	rddreg [dreg:$0x0]  }
0x2: {  	s0 =	srdreg.scid;
	s2 =	rddreg [dreg:$0x1]  }
0x3: {  	s8 =	stileid.u32;
	s3 =	rddreg [dreg:$0x2]  }
0x4: {  	s11 =	simm.s32 $0x1E180;
	s12 =	simm.s32 $0x1;
	s14 =	simm.s32 $0x1E000  }
0x5: {  	s15 =	simm.s32 $0x20;
	s20 =	simm.s32 $0x400;
	s0 =	sand.u32 $0x1, s0  }
0x6: {  	s21 =	simm.s32 $0x0;
	s25 =	simm.s32 $0x0;
	s4 =	sshll.u32 s0, $0x4  }
0x7: {  	s29 =	sshll.u32 s8, $0x7;
	s0 =	ssub.s32 $0x2, s0;
	s6 =	sor.u32 s8, s4  }
0x8: {  	s4 =	simm.s32 $0x0;
	s8 =	sand.u32 $0x380, s29;
	s9 =	smul.u32 $0x1400, s6  }
0x9: {  	s31 =	sshrl.u32 s0, $0x1;
	s5 =	sshrl.u32 s6, $0x3;
	s13 =	smul.u32 $0x140, s6  }
0xa: {  	[smem:$0x7FF] =	sst s4;
	s0 =	ssub.s32 s0, s31;
	s7 =	smul.u32 $0xC00, s5  }
.Ltmp0:
0xb: {  	_ =	strace $0x80000047;
	s5 =	sadd.s32 $0x2600, s1;
	(pc) =	sbr.rel .LBB2_1-.Ltmp0, $4  }
0xc: {  	s10 =	smax.u32 s0, $0x1;
	s30 =	sadd.s32 s9, s1;
	s7 =	sor.u32 s8, s7  }
0xd: {  	v1 =	vimm.f32 $-3.000000010e+38;
	s16 =	sadd.s32 $0x140, s13;
	v0 =	vmov s13;
	s13 =	simm.s32 $0x1E400;
	s7 =	sshrl.u32 s7, $0x3  }
0xe: {  	v3 =	vimm.f32 $0.0e+00;
	v4 =	vimm.f32 $3.000000010e+38;
	v5 =	vimm.s32 $0x0;
	s6 =	sadd.s32 $0x34A00, s30;
	s8 =	sadd.s32 $0xCA00, s30;
	s1 =	sadd.s32 s7, s1  }
0xf: {  	v6 =	vimm.f32 $1.000000000e+00;
	v7 =	vlaneseq.u32;
	v2 =	vmov s16;
	s16 =	simm.s32 $0x1EC80;
	s7 =	sadd.s32 $0x5CA00, s30;
	s9 =	sadd.s32 $0xC400, s1  }
.LBB2_15:
0x10: {  	[hbm4b:s6+s4] =	stream.linear.scatter [tilespmem:s4], [sflag:$0x1], $0xA000, $0x38;
	[tilespmem:$0x1FC80] =	vst v63  }
0x11: {  	_ =	swait.ge [sflag:s12], $0xA000  }
0x12: {  	[sflag:s12] =	ssyncset.done $0x0  }
0x13: {  	s0 =	simm.s32 $0xA000;
	[sflag:s12] =	ssyncadd.s32 $0xFFFF6000  }
0x14: {  	[hbm4b:s7+s4] =	stream.linear.scatter [tilespmem:s0], [sflag:$0x1], $0xA000, $0x38;
	[tilespmem:$0x1FC80] =	vst v63  }
0x15: {  	_ =	swait.ge [sflag:s12], $0xA000  }
0x16: {  	[sflag:s12] =	ssyncset.done $0x0  }
0x17: {  	s30 =	simm.s32 $0x14000;
	[sflag:s12] =	ssyncadd.s32 $0xFFFF6000  }
0x18: {  	[hbm4b:s8+s4] =	stream.linear.scatter [tilespmem:s30], [sflag:$0x1], $0xA000, $0x38;
	[tilespmem:$0x1FC80] =	vst v63  }
0x19: {  	s21 =	sadd.s32 $0x1, s21;
	_ =	swait.ge [sflag:s12], $0xA000  }
0x1a: {  	p0 =	sne.s32 s21, s10;
	[sflag:s12] =	ssyncset.done $0x0  }
.Ltmp1:
0x1b: {  	s31 =	simm.s32 $0x80;
	[sflag:s12] =	ssyncadd.s32 $0xFFFF6000;
	(pc) =	sbr.rel @!p0 .LBB2_16-.Ltmp1, $4  }
0x1c: {  	[hbm4b:s9+s31] =	stream.strided.scatter [tilespmem:s14], [sflag:$0x1], $0x180, s20, s31, $0x38;
	[tilespmem:$0x1FC80] =	vst v63  }
0x1d: {  	_ =	swait.ge [sflag:s12], $0x180  }
0x1e: {  	[sflag:s12] =	ssyncset.done $0x0  }
0x1f: {  	[sflag:s12] =	ssyncadd.s32 $0xFFFFFE80  }
.LBB2_1:
0x20: {  	s0 =	simm.s32 $0x0;
	s1 =	simm.s32 $0x200  }
.LBB2_2:
0x21: {  	p0 =	sne.s32 s1, $0x27E00;
	[tilespmem:s0+$0x14070] =	vst v4  }
0x22: {  	[tilespmem:s0+$0x0] =	vst v3  }
0x23: {  	[tilespmem:s0+$0xA000] =	vst v1  }
0x24: {  	[tilespmem:s0+$0x14000] =	vst v4  }
0x25: {  	[tilespmem:s0+$0x10] =	vst v3  }
0x26: {  	[tilespmem:s0+$0xA010] =	vst v1  }
0x27: {  	[tilespmem:s0+$0x14010] =	vst v4  }
0x28: {  	[tilespmem:s0+$0x20] =	vst v3  }
0x29: {  	[tilespmem:s0+$0xA020] =	vst v1  }
0x2a: {  	[tilespmem:s0+$0x14020] =	vst v4  }
0x2b: {  	[tilespmem:s0+$0x30] =	vst v3  }
0x2c: {  	[tilespmem:s0+$0xA030] =	vst v1  }
0x2d: {  	[tilespmem:s0+$0x14030] =	vst v4  }
0x2e: {  	[tilespmem:s0+$0x40] =	vst v3  }
0x2f: {  	[tilespmem:s0+$0xA040] =	vst v1  }
0x30: {  	[tilespmem:s0+$0x14040] =	vst v4  }
0x31: {  	[tilespmem:s0+$0x50] =	vst v3  }
0x32: {  	[tilespmem:s0+$0xA050] =	vst v1  }
0x33: {  	[tilespmem:s0+$0x14050] =	vst v4  }
.Ltmp2:
0x34: {  	[tilespmem:s0+$0x60] =	vst v3;
	(pc) =	sbr.rel @p0 .LBB2_2-.Ltmp2, $4  }
0x35: {  	[tilespmem:s0+$0xA060] =	vst v1  }
0x36: {  	[tilespmem:s0+$0x14060] =	vst v4  }
0x37: {  	[tilespmem:s0+$0x70] =	vst v3  }
0x38: {  	[tilespmem:s0+$0xA070] =	vst v1;
	s0 =	sshra.s32 s1, $0x2;
	s1 =	sadd.s32 $0x200, s1  }
0x39: {  	[tilespmem:s0+$0x14070] =	vst v4  }
0x3a: {  	[tilespmem:s0+$0x0] =	vst v3  }
0x3b: {  	[tilespmem:s0+$0xA000] =	vst v1  }
0x3c: {  	[tilespmem:s0+$0x14000] =	vst v4  }
0x3d: {  	[tilespmem:s0+$0x10] =	vst v3  }
0x3e: {  	[tilespmem:s0+$0xA010] =	vst v1  }
0x3f: {  	[tilespmem:s0+$0x14010] =	vst v4  }
0x40: {  	[tilespmem:s0+$0x20] =	vst v3  }
0x41: {  	[tilespmem:s0+$0xA020] =	vst v1  }
0x42: {  	[tilespmem:s0+$0x14020] =	vst v4  }
0x43: {  	[tilespmem:s0+$0x30] =	vst v3  }
0x44: {  	[tilespmem:s0+$0xA030] =	vst v1  }
0x45: {  	[tilespmem:s0+$0x14030] =	vst v4  }
0x46: {  	[tilespmem:s0+$0x40] =	vst v3  }
0x47: {  	[tilespmem:s0+$0xA040] =	vst v1  }
0x48: {  	[tilespmem:s0+$0x14040] =	vst v4  }
0x49: {  	[tilespmem:s0+$0x50] =	vst v3  }
0x4a: {  	[tilespmem:s0+$0xA050] =	vst v1  }
0x4b: {  	[tilespmem:s0+$0x14050] =	vst v4  }
0x4c: {  	[tilespmem:s0+$0x60] =	vst v3  }
0x4d: {  	[tilespmem:s0+$0xA060] =	vst v1  }
0x4e: {  	[tilespmem:s0+$0x14060] =	vst v4  }
0x4f: {  	[tilespmem:s0+$0x70] =	vst v3  }
0x50: {  	[tilespmem:s0+$0xA070] =	vst v1  }
0x51: {  	[tilespmem:$0x1E000] =	vst v3  }
0x52: {  	[tilespmem:$0x1E010] =	vst v3  }
0x53: {  	[tilespmem:$0x1E020] =	vst v3  }
0x54: {  	[tilespmem:$0x1E030] =	vst v3  }
0x55: {  	[tilespmem:$0x1E040] =	vst v3  }
0x56: {  	[tilespmem:$0x1E050] =	vst v3  }
0x57: {  	[tilespmem:$0x1E060] =	vst v3  }
0x58: {  	[tilespmem:$0x1E070] =	vst v3  }
0x59: {  	[tilespmem:$0x1E080] =	vst v3  }
0x5a: {  	[tilespmem:$0x1E090] =	vst v3  }
0x5b: {  	[tilespmem:$0x1E0A0] =	vst v3  }
0x5c: {  	[tilespmem:$0x1E0B0] =	vst v3  }
0x5d: {  	[tilespmem:$0x1E0C0] =	vst v3  }
0x5e: {  	[tilespmem:$0x1E0D0] =	vst v3  }
0x5f: {  	[tilespmem:$0x1E0E0] =	vst v3  }
0x60: {  	[tilespmem:$0x1E0F0] =	vst v3  }
0x61: {  	[tilespmem:$0x1E100] =	vst v3  }
0x62: {  	[tilespmem:$0x1E110] =	vst v3  }
0x63: {  	[tilespmem:$0x1E120] =	vst v3  }
0x64: {  	s22 =	simm.s32 $0x0;
	s0 =	simm.s32 $0x40;
	s1 =	simm.s32 $0x0;
	[tilespmem:$0x1E130] =	vst v3  }
.LBB2_4:
0x65: {  	p0 =	sne.s32 s0, $0x9C0;
	[tilespmem:s1+$0x1E680] =	vst v5;
	s17 =	smov.u32 s0;
	s0 =	sadd.s32 $0x40, s0  }
.Ltmp3:
0x66: {  	[tilespmem:s1+$0x1E980] =	vst v5;
	(pc) =	sbr.rel @p0 .LBB2_4-.Ltmp3, $2  }
0x67: {  	_ =	sdelay $0x2  }
0x68: {  	s1 =	sshra.s32 s17, $0x2  }
.Ltmp4:
0x69: {  	(pc) =	sbr.rel .LBB2_6-.Ltmp4, $3  }
0x6a: {  	_ =	sdelay $0x1  }
0x6b: {  	[tilespmem:s1+$0x1E680] =	vst v5  }
0x6c: {  	[tilespmem:s1+$0x1E980] =	vst v5  }
.LBB2_14:
0x6d: {  	s22 =	sadd.s32 $0x1, s22  }
0x6e: {  	p0 =	sne.s32 s22, $0x1F4  }
.Ltmp5:
0x6f: {  	_ = 	snop;
	(pc) =	sbr.rel @!p0 .LBB2_15-.Ltmp5, $1  }
0x70: {  	_ =	sdelay $0x3  }
.LBB2_6:
0x71: {  	s1 =	smul.u32 $0x50, s22;
	_ =	sdelay $0x1  }
0x72: {  	s0 =	simm.s32 $0x0;
	s17 =	sadd.s32 s5, s1  }
0x73: {  	[tilespmem:s11], [sflag:$0x1] =	stream.linear.gather [hbm4b:s17+s0], $0x280, $0x38;
	[tilespmem:$0x1FC80] =	vst v63  }
0x74: {  	_ =	swait.ge [sflag:s12], $0x280  }
0x75: {  	[sflag:s12] =	ssyncset.done $0x0  }
0x76: {  	s1 =	sadd.s32 s2, s1;
	[sflag:s12] =	ssyncadd.s32 $0xFFFFFD80  }
0x77: {  	[tilespmem:s13], [sflag:$0x1] =	stream.linear.gather [hbm4b:s1+s0], $0x280, $0x38;
	[tilespmem:$0x1FC80] =	vst v63  }
0x78: {  	_ =	swait.ge [sflag:s12], $0x280  }
0x79: {  	[sflag:s12] =	ssyncset.done $0x0  }
0x7a: {  	s30 =	simm.s32 $0x0;
	[sflag:s12] =	ssyncadd.s32 $0xFFFFFD80  }
0x7b: {  	v8 =	vld [tilespmem:s30+$0x1E400];
	_ =	sdelay $0x4  }
0x7c: {  	vm0 =	vge.s32 v8, v0;
	vm1 =	vlt.s32 v8, v2  }
0x7d: {  	vm0 =	vmand vm0, vm1  }
0x7e: {  	v8 =	vsub.s32 v8, v0;
	v9 =	vsel vm0, $0x1, v5  }
0x7f: {  	vm1 =	vgt.s32 v8, $0x0;
	(xrf0) =	vadd.scan.msk.s32 $0xffff, v9  }
0x80: {  	v8 =	vnsel vm1, $0x0, v8  }
0x81: {  	v8 =	vmin.u32 v8, $0x13F  }
0x82: {  	v10 =	vld [tilespmem:s30+$0x1E180];
	_ =	sdelay $0x2  }
0x83: {  	v9, _, _ =	vpop (xrf0)  }
0x84: {  	[tilespmem:v8+s14+$0x0] =	vst.idx.add.f32.msk vm0, v6;
	(v2sf) =	vpush v9, $0xF  }
0x85: {  	[tilespmem:s0+$0x1E680] =	vst.msk vm0, v10  }
0x86: {  	s31 =	simm.s32 $0x10;
	[tilespmem:s0+$0x1E980] =	vst.msk vm0, v8  }
0x87: {  	v8 =	vld [tilespmem:s31+$0x1E400];
	_ =	sdelay $0x4  }
0x88: {  	vm0 =	vge.s32 v8, v0;
	vm1 =	vlt.s32 v8, v2  }
0x89: {  	v8 =	vsub.s32 v8, v0;
	vm0 =	vmand vm0, vm1  }
0x8a: {  	vm1 =	vgt.s32 v8, $0x0;
	v9 =	vsel vm0, $0x1, v5  }
0x8b: {  	v8 =	vnsel vm1, $0x0, v8;
	(xrf0) =	vadd.scan.msk.s32 $0xffff, v9  }
0x8c: {  	v8 =	vmin.u32 v8, $0x13F  }
0x8d: {  	v9 =	vld [tilespmem:s31+$0x1E180];
	_ =	sdelay $0x1  }
0x8e: {  	s1 =	simm.s32 $0x80;
	s17 =	spop (v2sf)  }
.LBB2_7:
0x8f: {  	p0 =	sne.s32 s1, $0x9C0  }
0x90: {  	[tilespmem:v8+s14+$0x0] =	vst.idx.add.f32.msk vm0, v6;
	v10, _, _ =	vpop (xrf0);
	s0 =	sadd.s32 s0, s17;
	s17 =	smov.u32 s1;
	s1 =	sadd.s32 $0x40, s1  }
0x91: {  	[tilespmem:s0+$0x1E680] =	vst.msk vm0, v9;
	(v2sf) =	vpush v10, $0xF  }
0x92: {  	s17 =	sshra.s32 s17, $0x2;
	[tilespmem:s0+$0x1E980] =	vst.msk vm0, v8  }
0x93: {  	v8 =	vld [tilespmem:s17+$0x1E400];
	_ =	sdelay $0x4  }
0x94: {  	vm0 =	vge.s32 v8, v0;
	vm1 =	vlt.s32 v8, v2;
	v8 =	vsub.s32 v8, v0  }
0x95: {  	vm0 =	vmand vm0, vm1;
	vm1 =	vgt.s32 v8, $0x0  }
0x96: {  	v8 =	vnsel vm1, $0x0, v8;
	v9 =	vsel vm0, $0x1, v5  }
0x97: {  	(xrf0) =	vadd.scan.msk.s32 $0xffff, v9  }
.Ltmp6:
0x98: {  	v8 =	vmin.u32 v8, $0x13F;
	(pc) =	sbr.rel @p0 .LBB2_7-.Ltmp6, $2  }
0x99: {  	v9 =	vld [tilespmem:s17+$0x1E180];
	_ =	sdelay $0x2  }
0x9a: {  	s17 =	spop (v2sf)  }
0x9b: {  	v10, _, _ =	vpop (xrf0)  }
0x9c: {  	(v2sf) =	vpush v10, $0xF;
	_ =	sdelay $0xe  }
0x9d: {  	s0 =	sadd.s32 s0, s17;
	s1 =	spop (v2sf)  }
0x9e: {  	s23 =	sadd.s32 s0, s1  }
0x9f: {  	s1 =	sadd.s32 $0x1F, s23  }
0xa0: {  	s30 =	sand.u32 $0x1F, s1  }
0xa1: {  	s24 =	sshra.s32 s1, $0x1F;
	p0 =	slt.s32 s1, $0x1;
	p1 =	sne.s32 s30, $0x0  }
0xa2: {  	s31 =	sshrl.u32 s24, $0x1B;
	p0 =	por !p0, !p1  }
0xa3: {  	s17 =	simm.s32 $0x1;
	s1 =	sadd.s32 s31, s1;
	p0 =	por !p0, !p0  }
0xa4: {  	s1 =	sshra.s32 s1, $0x5;
	s17 =	simm.s32 @!p0 $0x0  }
0xa5: {  	s24 =	ssub.s32 s1, s17  }
0xa6: {  	p0 =	slt.s32 s24, $0x1  }
.Ltmp7:
0xa7: {  	_ = 	snop;
	(pc) =	sbr.rel @!p0 .LBB2_9-.Ltmp7, $4  }
.Ltmp8:
0xa8: {  	_ = 	snop;
	(pc) =	sbr.rel @p0 .LBB2_14-.Ltmp8, $4  }
0xa9: {  	[tilespmem:v8+s14+$0x0] =	vst.idx.add.f32.msk vm0, v6  }
0xaa: {  	[tilespmem:s0+$0x1E680] =	vst.msk vm0, v9  }
0xab: {  	s26 =	simm.s32 $0x0;
	s29 =	simm.s32 $0x0;
	[tilespmem:s0+$0x1E980] =	vst.msk vm0, v8;
	s28 =	smov.u32 s23  }
0xac: {  	_ = 	snop  }
.LBB2_12:
0xad: {  	[tilespmem:s31+$0x14060] =	vst v10  }
0xae: {  	v11 =	vld [tilespmem:s30+$0x30]  }
0xaf: {  	v63 =	vld [tilespmem:s31+$0x70];
	_ =	sdelay $0x3  }
0xb0: {  	v9 =	vmax.f32 v9, v11  }
0xb1: {  	v10 =	vadd.f32 v63, v11;
	v8 =	vmin.f32 v8, v11;
	[tilespmem:s31+$0xA070] =	vst v9  }
0xb2: {  	[tilespmem:s31+$0x14070] =	vst v8  }
0xb3: {  	[tilespmem:s31+$0x70] =	vst v10  }
.LBB2_13:
0xb4: {  	s29 =	sadd.s32 $0x1, s29  }
0xb5: {  	p0 =	sne.s32 s29, s24  }
.Ltmp9:
0xb6: {  	_ = 	snop;
	(pc) =	sbr.rel @!p0 .LBB2_14-.Ltmp9, $2  }
0xb7: {  	_ =	sdelay $0x2  }
0xb8: {  	s28 =	sadd.s32 $0xFFFFFFE0, s28;
	s26 =	sadd.s32 $0x20, s26  }
.LBB2_9:
0xb9: {  	s0 =	sshll.u32 s29, $0x5  }
0xba: {  	s1 =	sadd.s32 $0x1E680, s0;
	s0 =	ssub.s32 s23, s0  }
0xbb: {  	p0 =	slt.s32 s0, $0x1  }
.Ltmp10:
0xbc: {  	_ = 	snop;
	(pc) =	sbr.rel @p0 .LBB2_13-.Ltmp10, $4  }
0xbd: {  	[tilespmem:s16], [sflag:$0x1] =	stream.indirect.gather [hbm4b:s3+s15], $0x80, s1, s15, $0xb8;
	[tilespmem:$0x1FC80] =	vst v63  }
0xbe: {  	_ =	swait.ge [sflag:s12], $0x1000  }
0xbf: {  	[sflag:s12] =	ssyncset.done $0x0  }
0xc0: {  	[sflag:s12] =	ssyncadd.s32 $0xFFFFF000  }
0xc1: {  	s0 =	sadd.s32 $0x0, s26  }
0xc2: {  	s0 =	sand.u32 $0xFFFFFFF0, s0  }
0xc3: {  	v8 =	vld [tilespmem:s0+$0x1E980];
	_ =	sdelay $0x1  }
0xc4: {  	s18 =	sand.u32 $0xF, s25  }
0xc5: {  	v9 =	vmov s18  }
0xc6: {  	vm0 =	veq.s32 v9, v7  }
0xc7: {  	v8 =	vnsel vm0, $0x0, v8  }
0xc8: {  	(xrf0) =	vadd.scan.msk.s32 $0xffff, v8;
	_ =	sdelay $0x5  }
0xc9: {  	v8, _, _ =	vpop (xrf0)  }
0xca: {  	(v2sf) =	vpush v8, $0xF;
	_ =	sdelay $0xe  }
0xcb: {  	s30 =	simm.s32 $0x1ECC0;
	s19 =	spop (v2sf)  }
0xcc: {  	v8 =	vld [tilespmem:s30+$0xFFFFFFC0];
	s31 =	sshll.u32 s19, $0x7  }
0xcd: {  	v9 =	vld [tilespmem:s31+$0xA000]  }
0xce: {  	v10 =	vld [tilespmem:s31+$0x14000]  }
0xcf: {  	v11 =	vld [tilespmem:s31+$0x0];
	_ =	sdelay $0x3  }
0xd0: {  	v9 =	vmax.f32 v9, v8  }
0xd1: {  	[tilespmem:s31+$0xA000] =	vst v9;
	v9 =	vmin.f32 v10, v8;
	v8 =	vadd.f32 v11, v8  }
0xd2: {  	v10 =	vld [tilespmem:s31+$0x14010];
	[tilespmem:s31+$0x14000] =	vst v9  }
0xd3: {  	v9 =	vld [tilespmem:s31+$0xA010];
	[tilespmem:s31+$0x0] =	vst v8  }
0xd4: {  	v8 =	vld [tilespmem:s30+$0xFFFFFFD0]  }
0xd5: {  	v11 =	vld [tilespmem:s31+$0x10];
	_ =	sdelay $0x3  }
0xd6: {  	v9 =	vmax.f32 v9, v8  }
0xd7: {  	v11 =	vadd.f32 v11, v8;
	v8 =	vmin.f32 v10, v8;
	[tilespmem:s31+$0xA010] =	vst v9  }
0xd8: {  	v10 =	vld [tilespmem:s31+$0xA020];
	[tilespmem:s31+$0x14010] =	vst v8  }
0xd9: {  	v9 =	vld [tilespmem:s31+$0x14020];
	[tilespmem:s31+$0x10] =	vst v11  }
0xda: {  	v8 =	vld [tilespmem:s30+$0xFFFFFFE0]  }
0xdb: {  	v11 =	vld [tilespmem:s31+$0x20];
	_ =	sdelay $0x3  }
0xdc: {  	v10 =	vmax.f32 v10, v8  }
0xdd: {  	v11 =	vadd.f32 v11, v8;
	v8 =	vmin.f32 v9, v8;
	[tilespmem:s31+$0xA020] =	vst v10  }
0xde: {  	v9 =	vld [tilespmem:s31+$0xA030];
	[tilespmem:s31+$0x14020] =	vst v8  }
0xdf: {  	v10 =	vld [tilespmem:s31+$0x14030];
	[tilespmem:s31+$0x20] =	vst v11  }
0xe0: {  	v8 =	vld [tilespmem:s30+$0xFFFFFFF0]  }
0xe1: {  	v11 =	vld [tilespmem:s31+$0x30];
	_ =	sdelay $0x3  }
0xe2: {  	v9 =	vmax.f32 v9, v8  }
0xe3: {  	v11 =	vadd.f32 v11, v8;
	v8 =	vmin.f32 v10, v8;
	[tilespmem:s31+$0xA030] =	vst v9  }
0xe4: {  	v10 =	vld [tilespmem:s31+$0xA040];
	[tilespmem:s31+$0x14030] =	vst v8  }
0xe5: {  	v9 =	vld [tilespmem:s31+$0x14040];
	[tilespmem:s31+$0x30] =	vst v11  }
0xe6: {  	v8 =	vld [tilespmem:s30+$0x0]  }
0xe7: {  	v11 =	vld [tilespmem:s31+$0x40];
	_ =	sdelay $0x3  }
0xe8: {  	v10 =	vmax.f32 v10, v8  }
0xe9: {  	v11 =	vadd.f32 v11, v8;
	v8 =	vmin.f32 v9, v8;
	[tilespmem:s31+$0xA040] =	vst v10  }
0xea: {  	v9 =	vld [tilespmem:s31+$0xA050];
	[tilespmem:s31+$0x14040] =	vst v8  }
0xeb: {  	v10 =	vld [tilespmem:s31+$0x14050];
	[tilespmem:s31+$0x40] =	vst v11  }
0xec: {  	v8 =	vld [tilespmem:s30+$0x10]  }
0xed: {  	v11 =	vld [tilespmem:s31+$0x50];
	_ =	sdelay $0x3  }
0xee: {  	v9 =	vmax.f32 v9, v8  }
0xef: {  	v11 =	vadd.f32 v11, v8;
	v8 =	vmin.f32 v10, v8;
	[tilespmem:s31+$0xA050] =	vst v9  }
0xf0: {  	v10 =	vld [tilespmem:s31+$0xA060];
	[tilespmem:s31+$0x14050] =	vst v8  }
0xf1: {  	p0 =	sgt.s32 s28, $0x1;
	s0 =	smov.u32 s28;
	v8 =	vld [tilespmem:s31+$0x60];
	[tilespmem:s31+$0x50] =	vst v11  }
0xf2: {  	s0 =	simm.s32 @!p0 $0x1;
	v11 =	vld [tilespmem:s30+$0x20]  }
0xf3: {  	s1 =	smin.u32 s0, $0x20  }
0xf4: {  	p0 =	sne.s32 s1, $0x1;
	v9 =	vld [tilespmem:s31+$0x14060]  }
.Ltmp11:
0xf5: {  	_ = 	snop;
	(pc) =	sbr.rel @!p0 .LBB2_12-.Ltmp11, $4  }
0xf6: {  	_ = 	snop  }
0xf7: {  	v10 =	vmax.f32 v10, v11;
	v12 =	vadd.f32 v8, v11  }
0xf8: {  	v8 =	vld [tilespmem:s31+$0x14070];
	[tilespmem:s31+$0xA060] =	vst v10  }
0xf9: {  	s17 =	simm.s32 $0x1ECC0;
	s0 =	simm.s32 $0x1;
	v10 =	vmin.f32 v9, v11;
	v9 =	vld [tilespmem:s31+$0xA070];
	[tilespmem:s31+$0x60] =	vst v12  }
.LBB2_11:
0xfa: {  	[tilespmem:s31+$0x14060] =	vst v10;
	v10 =	vld [tilespmem:s31+$0x70];
	s17 =	sadd.s32 $0x80, s17;
	s18 =	smov.u32 s0;
	s0 =	sadd.s32 $0x1, s0  }
0xfb: {  	p0 =	sne.s32 s1, s0;
	v11 =	vld [tilespmem:s30+$0x30];
	s30 =	smov.u32 s17;
	_ =	sdelay $0x4  }
0xfc: {  	v10 =	vadd.f32 v10, v11;
	v9 =	vmax.f32 v9, v11;
	v8 =	vmin.f32 v8, v11  }
0xfd: {  	[tilespmem:s31+$0xA070] =	vst v9  }
0xfe: {  	s19 =	sadd.s32 s18, s26;
	[tilespmem:s31+$0x70] =	vst v10  }
0xff: {  	s19 =	sand.u32 $0xFFFFFFF0, s19;
	[tilespmem:s31+$0x14070] =	vst v8  }
0x100: {  	v8 =	vld [tilespmem:s19+$0x1E980];
	_ =	sdelay $0x1  }
0x101: {  	s18 =	sand.u32 $0xF, s18  }
0x102: {  	v9 =	vmov s18  }
0x103: {  	vm0 =	veq.s32 v9, v7  }
0x104: {  	v8 =	vnsel vm0, $0x0, v8  }
0x105: {  	(xrf0) =	vadd.scan.msk.s32 $0xffff, v8;
	_ =	sdelay $0x5  }
0x106: {  	v8, _, _ =	vpop (xrf0)  }
0x107: {  	(v2sf) =	vpush v8, $0xF;
	_ =	sdelay $0xe  }
0x108: {  	s18 =	spop (v2sf)  }
0x109: {  	v8 =	vld [tilespmem:s17+$0xFFFFFFC0];
	s31 =	sshll.u32 s18, $0x7  }
0x10a: {  	v9 =	vld [tilespmem:s31+$0xA000]  }
0x10b: {  	v10 =	vld [tilespmem:s31+$0x0]  }
0x10c: {  	v11 =	vld [tilespmem:s31+$0x14000];
	_ =	sdelay $0x3  }
0x10d: {  	v9 =	vmax.f32 v9, v8;
	v10 =	vadd.f32 v10, v8  }
0x10e: {  	[tilespmem:s31+$0xA000] =	vst v9;
	v8 =	vmin.f32 v11, v8;
	v9 =	vld [tilespmem:s31+$0x14010]  }
0x10f: {  	[tilespmem:s31+$0x14000] =	vst v8;
	v8 =	vld [tilespmem:s31+$0xA010]  }
0x110: {  	[tilespmem:s31+$0x0] =	vst v10;
	v10 =	vld [tilespmem:s31+$0x10]  }
0x111: {  	v11 =	vld [tilespmem:s17+$0xFFFFFFD0];
	_ =	sdelay $0x4  }
0x112: {  	v10 =	vadd.f32 v10, v11;
	v8 =	vmax.f32 v8, v11;
	v9 =	vmin.f32 v9, v11  }
0x113: {  	[tilespmem:s31+$0xA010] =	vst v8;
	v8 =	vld [tilespmem:s31+$0x14020]  }
0x114: {  	[tilespmem:s31+$0x10] =	vst v10;
	v10 =	vld [tilespmem:s31+$0xA020]  }
0x115: {  	[tilespmem:s31+$0x14010] =	vst v9;
	v9 =	vld [tilespmem:s31+$0x20]  }
0x116: {  	v11 =	vld [tilespmem:s17+$0xFFFFFFE0];
	_ =	sdelay $0x4  }
0x117: {  	v9 =	vadd.f32 v9, v11;
	v10 =	vmax.f32 v10, v11;
	v8 =	vmin.f32 v8, v11  }
0x118: {  	[tilespmem:s31+$0xA020] =	vst v10;
	v10 =	vld [tilespmem:s31+$0x14030]  }
0x119: {  	[tilespmem:s31+$0x20] =	vst v9;
	v9 =	vld [tilespmem:s31+$0xA030]  }
0x11a: {  	[tilespmem:s31+$0x14020] =	vst v8;
	v8 =	vld [tilespmem:s31+$0x30]  }
0x11b: {  	v11 =	vld [tilespmem:s17+$0xFFFFFFF0];
	_ =	sdelay $0x4  }
0x11c: {  	v8 =	vadd.f32 v8, v11;
	v9 =	vmax.f32 v9, v11;
	v10 =	vmin.f32 v10, v11  }
0x11d: {  	[tilespmem:s31+$0xA030] =	vst v9;
	v9 =	vld [tilespmem:s31+$0x14040]  }
0x11e: {  	[tilespmem:s31+$0x30] =	vst v8;
	v8 =	vld [tilespmem:s31+$0xA040]  }
0x11f: {  	[tilespmem:s31+$0x14030] =	vst v10;
	v10 =	vld [tilespmem:s31+$0x40]  }
0x120: {  	v11 =	vld [tilespmem:s17+$0x0];
	_ =	sdelay $0x4  }
0x121: {  	v10 =	vadd.f32 v10, v11;
	v8 =	vmax.f32 v8, v11;
	v9 =	vmin.f32 v9, v11  }
0x122: {  	[tilespmem:s31+$0xA040] =	vst v8;
	v8 =	vld [tilespmem:s31+$0x14050]  }
0x123: {  	[tilespmem:s31+$0x40] =	vst v10;
	v10 =	vld [tilespmem:s31+$0xA050]  }
0x124: {  	[tilespmem:s31+$0x14040] =	vst v9;
	v9 =	vld [tilespmem:s31+$0x50]  }
0x125: {  	v11 =	vld [tilespmem:s17+$0x10];
	_ =	sdelay $0x4  }
0x126: {  	v9 =	vadd.f32 v9, v11;
	v10 =	vmax.f32 v10, v11;
	v8 =	vmin.f32 v8, v11  }
0x127: {  	[tilespmem:s31+$0xA050] =	vst v10;
	v10 =	vld [tilespmem:s31+$0x14060]  }
0x128: {  	[tilespmem:s31+$0x50] =	vst v9;
	v9 =	vld [tilespmem:s31+$0xA060]  }
0x129: {  	[tilespmem:s31+$0x14050] =	vst v8;
	v8 =	vld [tilespmem:s31+$0x60]  }
0x12a: {  	v11 =	vld [tilespmem:s17+$0x20];
	_ =	sdelay $0x2  }
.Ltmp12:
0x12b: {  	(pc) =	sbr.rel @p0 .LBB2_11-.Ltmp12, $4  }
0x12c: {  	_ = 	snop  }
0x12d: {  	v12 =	vadd.f32 v8, v11;
	v8 =	vmax.f32 v9, v11;
	v10 =	vmin.f32 v10, v11  }
0x12e: {  	[tilespmem:s31+$0xA060] =	vst v8;
	v8 =	vld [tilespmem:s31+$0x14070]  }
0x12f: {  	[tilespmem:s31+$0x60] =	vst v12;
	v9 =	vld [tilespmem:s31+$0xA070]  }
.Ltmp13:
0x130: {  	_ = 	snop;
	(pc) =	sbr.rel .LBB2_12-.Ltmp13, $1  }
0x131: {  	_ =	sdelay $0x3  }
.LBB2_16:
0x132: {  	_ =	sfence.sel $0x180000  }
0x133: {  	[bflag:$0x0] =	sbarrier.arrive $0xFFFF  }
0x134: {  	_ =	strace $0x90000047  }
0x135: {  	s0 =	stileid.u32;
	[bflag:$0x2] =	sbarrier.arrive $0xFFFF  }
0x136: {  	p0 =	sne.s32 s0, $0x0;
	s0 =	rddreg [dreg:$0x3]  }
0x137: {  	s0 =	sadd.s32 @!p0 $0x100000, s0  }
0x138: {  	[sflag:s0] =	ssyncadd.tile.s32 @!p0 $0x1;
	_ =	shalt  }
.Lfunc_end2:
_tile_overlayer_lowered:
.L_overlay_start_2:
0x139: {  	(tag) =	ssettag $0x2  }
0x13a: {  	s0 =	rddreg [dreg:$0x0];
	s2 =	stileid.u32  }
0x13b: {  	s1 =	rddreg [dreg:$0x1];
	p0 =	sne.s32 s2, $0x0  }
0x13c: {  	s3 =	rddreg [dreg:$0x2];
	[bflag:$0x3] =	sbarrier.arrive $0xFFFF;
	s2 =	simm.s32 @!p0 $0x1C01  }
0x13d: {  	[timem:s3], [sflag:s2] =	dma.local @!p0 [hbm:s0], s1  }
0x13e: {  	s0 =	simm.s32 @!p0 $0x1  }
0x13f: {  	_ =	swait.ge @!p0 [sflag:s0], s1  }
0x140: {  	s1 =	ssub.s32 @!p0 $0x0, s1;
	[sflag:s0] =	ssyncset.done @!p0 $0x0  }
0x141: {  	[sflag:s0] =	ssyncadd.s32 @!p0 s1  }
0x142: {  	[bflag:$0x3] =	sbarrier.arrive $0xFFFF  }
0x143: {  	_ =	shalt  }

</sc_bundles>
